<compile_context>
chip_gen: v7x
topology: tpu7x:2x2x1
jax: 0.10.2.dev20260603
libtpu: 0.0.44.dev20260713+nightly
codegen_flags: <defaults>
</compile_context>

<pallas_src>
import functools

import jax
import jax.numpy as jnp
from jax import lax
from jax.experimental import pallas as pl
from jax.experimental.pallas import tpu as pltpu
from jax.experimental.pallas import tpu_sc as plsc

N = 10000
E = 320000
D = 128

NC = 2
NS = 16
NW = NC * NS
EPW = E // NW
CHUNK = 128
NCHUNK = -(-EPW // CHUNK)
EPW_PAD = NCHUNK * CHUNK
NROW_ACC = 10240
ROWS_PER_TILE = NROW_ACC // NS
OUT_CHUNK = 128


def _sc_segment_sum(h, src3d, dst3d, zeros):
    mesh = plsc.VectorSubcoreMesh(
        core_axis_name="c", subcore_axis_name="s", num_cores=NC,
        num_subcores=NS)

    @functools.partial(
        pl.kernel,
        out_type=jax.ShapeDtypeStruct((NC, NROW_ACC, D), jnp.float32),
        mesh=mesh,
        scratch_types=[
            pltpu.VMEM((NCHUNK, CHUNK), jnp.int32),
            pltpu.VMEM((NCHUNK, CHUNK), jnp.int32),
            pltpu.VMEM((CHUNK, D), jnp.float32),
            pltpu.VMEM_SHARED((NROW_ACC, D), jnp.float32),
            pltpu.SemaphoreType.DMA,
        ],
    )
    def seg_sum(h_hbm, src_hbm, dst_hbm, zeros_hbm, out_hbm,
                src_v, dst_v, rows_v, agg_sh, sem):
        c = lax.axis_index("c")
        s = lax.axis_index("s")
        w = c * NS + s
        base = s * ROWS_PER_TILE
        pltpu.sync_copy(zeros_hbm.at[pl.ds(base, ROWS_PER_TILE)],
                        agg_sh.at[pl.ds(base, ROWS_PER_TILE)])
        pltpu.sync_copy(src_hbm.at[w], src_v)
        pltpu.sync_copy(dst_hbm.at[w], dst_v)
        plsc.subcore_barrier()

        def body(j, carry):
            pltpu.async_copy(h_hbm.at[src_v.at[j]], rows_v, sem).wait()
            pltpu.sync_copy(rows_v, agg_sh.at[dst_v.at[j]], add=True)
            return carry

        lax.fori_loop(0, NCHUNK, body, 0)
        plsc.subcore_barrier()
        for k in range(ROWS_PER_TILE // OUT_CHUNK):
            off = base + k * OUT_CHUNK
            pltpu.sync_copy(agg_sh.at[pl.ds(off, OUT_CHUNK)], rows_v)
            pltpu.sync_copy(rows_v, out_hbm.at[c, pl.ds(off, OUT_CHUNK)])

    return seg_sum(h, src3d, dst3d, zeros)


_ROW_BLK = 1000


def _mlp_body(h_ref, p0_ref, p1_ref, Wa_ref, ba_ref, Wb_ref, bb_ref, o_ref):
    z = h_ref[...] + (p0_ref[...] + p1_ref[...])
    z = jnp.dot(z, Wa_ref[...], preferred_element_type=jnp.float32) + ba_ref[...]
    z = jnp.maximum(z, 0.0)
    z = jnp.dot(z, Wb_ref[...], preferred_element_type=jnp.float32) + bb_ref[...]
    o_ref[...] = jnp.maximum(z, 0.0)


def _tc_mlp(h, p0, p1, Wa, ba, Wb, bb):
    row = pl.BlockSpec((_ROW_BLK, D), lambda i: (i, 0))
    wsp = pl.BlockSpec((D, D), lambda i: (0, 0))
    bsp = pl.BlockSpec((1, D), lambda i: (0, 0))
    return pl.pallas_call(
        _mlp_body,
        grid=(N // _ROW_BLK,),
        in_specs=[row, row, row, wsp, bsp, wsp, bsp],
        out_specs=row,
        out_shape=jax.ShapeDtypeStruct((N, D), jnp.float32),
    )(h, p0, p1, Wa, ba.reshape(1, D), Wb, bb.reshape(1, D))


def _head_body(h_ref, p0_ref, p1_ref, x1_ref, x2_ref, Wa_ref, ba_ref,
               Wb_ref, bb_ref, Wm_ref, bm_ref, o_ref):
    z = h_ref[...] + (p0_ref[...] + p1_ref[...])
    z = jnp.dot(z, Wa_ref[...], preferred_element_type=jnp.float32) + ba_ref[...]
    z = jnp.maximum(z, 0.0)
    z = jnp.dot(z, Wb_ref[...], preferred_element_type=jnp.float32) + bb_ref[...]
    x3 = jnp.maximum(z, 0.0)
    ssum = x1_ref[...] + x2_ref[...] + x3
    p = jnp.sum(ssum * Wm_ref[...], axis=1, keepdims=True) + bm_ref[...]
    p = jnp.clip(p, -10.0, 10.0)
    o_ref[...] = 1.0 / (1.0 + jnp.exp(-p))


def _tc_head(h, p0, p1, x1, x2, Wa, ba, Wb, bb, Wm, bm):
    row = pl.BlockSpec((_ROW_BLK, D), lambda i: (i, 0))
    wsp = pl.BlockSpec((D, D), lambda i: (0, 0))
    bsp = pl.BlockSpec((1, D), lambda i: (0, 0))
    ssp = pl.BlockSpec((1, 1), lambda i: (0, 0))
    osp = pl.BlockSpec((_ROW_BLK, 1), lambda i: (i, 0))
    return pl.pallas_call(
        _head_body,
        grid=(N // _ROW_BLK,),
        in_specs=[row, row, row, row, row, wsp, bsp, wsp, bsp, bsp, ssp],
        out_specs=osp,
        out_shape=jax.ShapeDtypeStruct((N, 1), jnp.float32),
    )(h, p0, p1, x1, x2, Wa, ba.reshape(1, D), Wb, bb.reshape(1, D),
      Wm.reshape(1, D), bm.reshape(1, 1))


def kernel(x, edge_index, edge_attr, batch, imp_edge_index, graph_central_node,
           W0a, b0a, W0b, b0b, W1a, b1a, W1b, b1b, W2a, b2a, W2b, b2b, Wm, bm):
    pad = EPW_PAD - EPW
    src3d = jnp.pad(edge_index[0].reshape(NW, EPW),
                    ((0, 0), (0, pad))).reshape(NW, NCHUNK, CHUNK)
    dst3d = jnp.pad(edge_index[1].reshape(NW, EPW), ((0, 0), (0, pad)),
                    constant_values=N).reshape(NW, NCHUNK, CHUNK)
    zeros = jnp.zeros((NROW_ACC, D), jnp.float32)

    h = x
    parts = _sc_segment_sum(h, src3d, dst3d, zeros)
    x1 = _tc_mlp(h, parts[0, :N], parts[1, :N], W0a, b0a, W0b, b0b)
    parts = _sc_segment_sum(x1, src3d, dst3d, zeros)
    x2 = _tc_mlp(x1, parts[0, :N], parts[1, :N], W1a, b1a, W1b, b1b)
    parts = _sc_segment_sum(x2, src3d, dst3d, zeros)
    return _tc_head(x2, parts[0, :N], parts[1, :N], x1, x2,
                    W2a, b2a, W2b, b2b, Wm, bm)

# --- scband reference (transcript-rebuilt; emitter-appended) ---
"""Pipeline reference for scband-explainer-gnn-67577015435768 (READ-ONLY COPY).

The authoritative reference and input builder live on the scoring server;
editing this copy changes nothing except your own understanding.
"""

import jax, jax.numpy as jnp
import numpy as np

N = 10000
E = 320000
D = 128
H = 128
DE = 16


def setup_inputs(seed: int = 0) -> dict:
    key = jax.random.key(seed)
    ks = jax.random.split(key, 20)
    inp = {}
    inp['x'] = jax.random.normal(ks[0], (N, D), dtype=jnp.float32)
    inp['edge_index'] = jax.random.randint(ks[1], (2, E), 0, N, dtype=jnp.int32)
    inp['edge_attr'] = jax.random.normal(ks[2], (E, DE), dtype=jnp.float32)
    inp['batch'] = jnp.sort(jax.random.randint(ks[3], (N,), 0, 64, dtype=jnp.int32))
    inp['imp_edge_index'] = jax.random.randint(ks[4], (2, E), 0, N, dtype=jnp.int32)
    inp['graph_central_node'] = 0
    # GIN conv MLP params (torch Linear stored as [in, out] for x @ W + b)
    s = 1.0 / np.sqrt(D)
    sh = 1.0 / np.sqrt(H)
    inp['W0a'] = jax.random.uniform(ks[5], (D, H), jnp.float32, -s, s)
    inp['b0a'] = jnp.zeros((H,), jnp.float32)
    inp['W0b'] = jax.random.uniform(ks[6], (H, H), jnp.float32, -sh, sh)
    inp['b0b'] = jnp.zeros((H,), jnp.float32)
    inp['W1a'] = jax.random.uniform(ks[7], (H, H), jnp.float32, -sh, sh)
    inp['b1a'] = jnp.zeros((H,), jnp.float32)
    inp['W1b'] = jax.random.uniform(ks[8], (H, H), jnp.float32, -sh, sh)
    inp['b1b'] = jnp.zeros((H,), jnp.float32)
    inp['W2a'] = jax.random.uniform(ks[9], (H, H), jnp.float32, -sh, sh)
    inp['b2a'] = jnp.zeros((H,), jnp.float32)
    inp['W2b'] = jax.random.uniform(ks[10], (H, H), jnp.float32, -sh, sh)
    inp['b2b'] = jnp.zeros((H,), jnp.float32)
    inp['Wm'] = jax.random.uniform(ks[11], (H, 1), jnp.float32, -sh, sh)
    inp['bm'] = jnp.zeros((1,), jnp.float32)
    return inp


def _gin(h, src, dst, Wa, ba, Wb, bb, n_nodes):
    # GINConv with eps=0: nn(x + sum_{j in N(i)} x_j)
    agg = jax.ops.segment_sum(h[src], dst, num_segments=n_nodes)
    z = (h + agg) @ Wa + ba
    z = jax.nn.relu(z)
    z = z @ Wb + bb
    return z


def reference(x, edge_index, edge_attr, batch, imp_edge_index, graph_central_node,
              W0a, b0a, W0b, b0b, W1a, b1a, W1b, b1b, W2a, b2a, W2b, b2b, Wm, bm):
    # eval mode: dropout = identity, sampling = plain sigmoid
    n_nodes = x.shape[0]
    src = edge_index[0]
    dst = edge_index[1]
    node_imp = jnp.ones((n_nodes, 1), dtype=x.dtype)
    h = x * node_imp
    params = [(W0a, b0a, W0b, b0b), (W1a, b1a, W1b, b1b), (W2a, b2a, W2b, b2b)]
    xs = []
    for (Wa, ba, Wb, bb) in params:
        h = jax.nn.relu(_gin(h, src, dst, Wa, ba, Wb, bb, n_nodes))
        h = h * node_imp
        xs.append(h)
    node_prob = xs[0] + xs[1] + xs[2]
    node_prob = node_prob @ Wm + bm
    node_prob = jnp.clip(node_prob, -10.0, 10.0)
    return jax.nn.sigmoid(node_prob)

if __name__ == "__main__":
    import jax
    _d = setup_inputs()
    print(jax.jit(kernel)(*tuple(_d.values())))

</pallas_src>

<mosaic_0001>
#map = affine_map<(d0, d1) -> (0, 0)>
#map1 = affine_map<(d0, d1) -> (0, 0, 0)>
module attributes {stable_mosaic.version = 14 : i64} {
  func.func @seg_sum(%arg0: i32, %arg1: i32, %arg2: memref<10000x128xf32, #tpu.memory_space<hbm>>, %arg3: memref<32x79x128xi32, #tpu.memory_space<hbm>>, %arg4: memref<32x79x128xi32, #tpu.memory_space<hbm>>, %arg5: memref<10240x128xf32, #tpu.memory_space<hbm>>, %arg6: memref<2x10240x128xf32, #tpu.memory_space<hbm>>, %arg7: memref<79x128xi32, #tpu.memory_space<vmem>>, %arg8: memref<79x128xi32, #tpu.memory_space<vmem>>, %arg9: memref<128x128xf32, #tpu.memory_space<vmem>>, %arg10: memref<10240x128xf32, #tpu.memory_space<vmem_shared>>, %arg11: memref<!tpu.dma_semaphore, #tpu.memory_space<semaphore_mem>>) attributes {dimension_semantics = [#tpu.dimension_semantics<core_parallel>, #tpu.dimension_semantics<subcore_parallel>], iteration_bounds = array<i64: 2, 16>, scalar_prefetch = 0 : i64, scratch_operands = 5 : i64, tpu.core_type = #tpu.core_type<sc_vector_subcore>, window_params = [{transform_indices = #map}, {transform_indices = #map1}, {transform_indices = #map1}, {transform_indices = #map}, {transform_indices = #map1}]} {
    %mul3A = arith.constant 16 : i32
    %mul3A_0 = arith.muli %arg0, %mul3A : i32
    %add3A = arith.addi %mul3A_0, %arg1 : i32
    %mul3A_1 = arith.constant 640 : i32
    %mul3A_2 = arith.muli %arg1, %mul3A_1 : i32
    "tpu.region"() ({
      %run_scoped3A = tpu.sem_alloc : memref<!tpu.dma_semaphore, #tpu.memory_space<semaphore_mem>>
      %dma_start3A = arith.constant 0 : i32
      %dma_start3A_19 = tpu.memref_slice %arg10[%mul3A_2, %dma_start3A] : memref<10240x128xf32, #tpu.memory_space<vmem_shared>> -> memref<640x128xf32, #tpu.memory_space<vmem_shared>>
      %dma_start3A_20 = arith.constant 0 : i32
      %dma_start3A_21 = tpu.memref_slice %arg5[%mul3A_2, %dma_start3A_20] : memref<10240x128xf32, #tpu.memory_space<hbm>> -> memref<640x128xf32, #tpu.memory_space<hbm>>
      tpu.enqueue_dma source(%dma_start3A_21 : memref<640x128xf32, #tpu.memory_space<hbm>>) target(%dma_start3A_19 : memref<640x128xf32, #tpu.memory_space<vmem_shared>>) target_semaphore(%run_scoped3A : memref<!tpu.dma_semaphore, #tpu.memory_space<semaphore_mem>>)
      %dma_wait3A = arith.constant 0 : i32
      %dma_wait3A_22 = tpu.memref_slice %arg10[%mul3A_2, %dma_wait3A] : memref<10240x128xf32, #tpu.memory_space<vmem_shared>> -> memref<640x128xf32, #tpu.memory_space<vmem_shared>>
      %dma_wait3A_23 = arith.constant 0 : i32
      %dma_wait3A_24 = tpu.memref_slice %arg5[%mul3A_2, %dma_wait3A_23] : memref<10240x128xf32, #tpu.memory_space<hbm>> -> memref<640x128xf32, #tpu.memory_space<hbm>>
      tpu.wait_dma2 semaphore(%run_scoped3A : memref<!tpu.dma_semaphore, #tpu.memory_space<semaphore_mem>>) src(%dma_wait3A_24 : memref<640x128xf32, #tpu.memory_space<hbm>>) dst(%dma_wait3A_22 : memref<640x128xf32, #tpu.memory_space<vmem_shared>>)
      tpu.yield
    }) : () -> ()
    "tpu.region"() ({
      %run_scoped3A = tpu.sem_alloc : memref<!tpu.dma_semaphore, #tpu.memory_space<semaphore_mem>>
      %dma_start3A = arith.constant 0 : i32
      %dma_start3A_19 = arith.constant 0 : i32
      %dma_start3A_20 = tpu.memref_slice %arg3[%add3A, %dma_start3A, %dma_start3A_19] : memref<32x79x128xi32, #tpu.memory_space<hbm>> -> memref<1x79x128xi32, #tpu.memory_space<hbm>>
      %dma_start3A_21 = tpu.memref_squeeze %dma_start3A_20 : memref<1x79x128xi32, #tpu.memory_space<hbm>> -> memref<79x128xi32, #tpu.memory_space<hbm>>
      %dma_start3A_22 = arith.constant 0 : i32
      %dma_start3A_23 = arith.constant 0 : i32
      %dma_start3A_24 = tpu.memref_slice %arg3[%add3A, %dma_start3A_22, %dma_start3A_23] : memref<32x79x128xi32, #tpu.memory_space<hbm>> -> memref<1x79x128xi32, #tpu.memory_space<hbm>>
      %dma_start3A_25 = tpu.memref_squeeze %dma_start3A_24 : memref<1x79x128xi32, #tpu.memory_space<hbm>> -> memref<79x128xi32, #tpu.memory_space<hbm>>
      tpu.enqueue_dma source(%dma_start3A_25 : memref<79x128xi32, #tpu.memory_space<hbm>>) target(%arg7 : memref<79x128xi32, #tpu.memory_space<vmem>>) target_semaphore(%run_scoped3A : memref<!tpu.dma_semaphore, #tpu.memory_space<semaphore_mem>>)
      %dma_wait3A = arith.constant 0 : i32
      %dma_wait3A_26 = arith.constant 0 : i32
      %dma_wait3A_27 = tpu.memref_slice %arg3[%add3A, %dma_wait3A, %dma_wait3A_26] : memref<32x79x128xi32, #tpu.memory_space<hbm>> -> memref<1x79x128xi32, #tpu.memory_space<hbm>>
      %dma_wait3A_28 = tpu.memref_squeeze %dma_wait3A_27 : memref<1x79x128xi32, #tpu.memory_space<hbm>> -> memref<79x128xi32, #tpu.memory_space<hbm>>
      %dma_wait3A_29 = arith.constant 0 : i32
      %dma_wait3A_30 = arith.constant 0 : i32
      %dma_wait3A_31 = tpu.memref_slice %arg3[%add3A, %dma_wait3A_29, %dma_wait3A_30] : memref<32x79x128xi32, #tpu.memory_space<hbm>> -> memref<1x79x128xi32, #tpu.memory_space<hbm>>
      %dma_wait3A_32 = tpu.memref_squeeze %dma_wait3A_31 : memref<1x79x128xi32, #tpu.memory_space<hbm>> -> memref<79x128xi32, #tpu.memory_space<hbm>>
      tpu.wait_dma2 semaphore(%run_scoped3A : memref<!tpu.dma_semaphore, #tpu.memory_space<semaphore_mem>>) src(%dma_wait3A_32 : memref<79x128xi32, #tpu.memory_space<hbm>>) dst(%arg7 : memref<79x128xi32, #tpu.memory_space<vmem>>)
      tpu.yield
    }) : () -> ()
    "tpu.region"() ({
      %run_scoped3A = tpu.sem_alloc : memref<!tpu.dma_semaphore, #tpu.memory_space<semaphore_mem>>
      %dma_start3A = arith.constant 0 : i32
      %dma_start3A_19 = arith.constant 0 : i32
      %dma_start3A_20 = tpu.memref_slice %arg4[%add3A, %dma_start3A, %dma_start3A_19] : memref<32x79x128xi32, #tpu.memory_space<hbm>> -> memref<1x79x128xi32, #tpu.memory_space<hbm>>
      %dma_start3A_21 = tpu.memref_squeeze %dma_start3A_20 : memref<1x79x128xi32, #tpu.memory_space<hbm>> -> memref<79x128xi32, #tpu.memory_space<hbm>>
      %dma_start3A_22 = arith.constant 0 : i32
      %dma_start3A_23 = arith.constant 0 : i32
      %dma_start3A_24 = tpu.memref_slice %arg4[%add3A, %dma_start3A_22, %dma_start3A_23] : memref<32x79x128xi32, #tpu.memory_space<hbm>> -> memref<1x79x128xi32, #tpu.memory_space<hbm>>
      %dma_start3A_25 = tpu.memref_squeeze %dma_start3A_24 : memref<1x79x128xi32, #tpu.memory_space<hbm>> -> memref<79x128xi32, #tpu.memory_space<hbm>>
      tpu.enqueue_dma source(%dma_start3A_25 : memref<79x128xi32, #tpu.memory_space<hbm>>) target(%arg8 : memref<79x128xi32, #tpu.memory_space<vmem>>) target_semaphore(%run_scoped3A : memref<!tpu.dma_semaphore, #tpu.memory_space<semaphore_mem>>)
      %dma_wait3A = arith.constant 0 : i32
      %dma_wait3A_26 = arith.constant 0 : i32
      %dma_wait3A_27 = tpu.memref_slice %arg4[%add3A, %dma_wait3A, %dma_wait3A_26] : memref<32x79x128xi32, #tpu.memory_space<hbm>> -> memref<1x79x128xi32, #tpu.memory_space<hbm>>
      %dma_wait3A_28 = tpu.memref_squeeze %dma_wait3A_27 : memref<1x79x128xi32, #tpu.memory_space<hbm>> -> memref<79x128xi32, #tpu.memory_space<hbm>>
      %dma_wait3A_29 = arith.constant 0 : i32
      %dma_wait3A_30 = arith.constant 0 : i32
      %dma_wait3A_31 = tpu.memref_slice %arg4[%add3A, %dma_wait3A_29, %dma_wait3A_30] : memref<32x79x128xi32, #tpu.memory_space<hbm>> -> memref<1x79x128xi32, #tpu.memory_space<hbm>>
      %dma_wait3A_32 = tpu.memref_squeeze %dma_wait3A_31 : memref<1x79x128xi32, #tpu.memory_space<hbm>> -> memref<79x128xi32, #tpu.memory_space<hbm>>
      tpu.wait_dma2 semaphore(%run_scoped3A : memref<!tpu.dma_semaphore, #tpu.memory_space<semaphore_mem>>) src(%dma_wait3A_32 : memref<79x128xi32, #tpu.memory_space<hbm>>) dst(%arg8 : memref<79x128xi32, #tpu.memory_space<vmem>>)
      tpu.yield
    }) : () -> ()
    %barrier3A = arith.constant 0 : index
    tpu.barrier barrier_id(%barrier3A)
    %scan3A = arith.constant 0 : i32
    %scan3A_3 = arith.constant 0 : i32
    %scan3A_4 = arith.constant 79 : i32
    %scan3A_5 = arith.addi %scan3A_3, %scan3A_4 : i32
    %scan3A_6 = arith.constant 1 : i32
    scf.for %scan3A_19 = %scan3A_3 to %scan3A_5 step %scan3A_6  : i32 {
      %dma_start3A = arith.constant 0 : i32
      %dma_start3A_20 = tpu.memref_slice %arg7[%scan3A_19, %dma_start3A] : memref<79x128xi32, #tpu.memory_space<vmem>> -> memref<1x128xi32, #tpu.memory_space<vmem>>
      %dma_start3A_21 = tpu.memref_squeeze %dma_start3A_20 : memref<1x128xi32, #tpu.memory_space<vmem>> -> memref<128xi32, #tpu.memory_space<vmem>>
      %dma_start3A_22 = arith.constant 0 : i32
      %dma_start3A_23 = arith.constant 0 : i32
      %dma_start3A_24 = tpu.memref_slice %arg2[%dma_start3A_22, %dma_start3A_23] : memref<10000x128xf32, #tpu.memory_space<hbm>> -> memref<10000x128xf32, #tpu.memory_space<hbm>>
      tpu.enqueue_indirect_dma source(%dma_start3A_24 : memref<10000x128xf32, #tpu.memory_space<hbm>>) target(%arg9 : memref<128x128xf32, #tpu.memory_space<vmem>>) offsets(%dma_start3A_21 : memref<128xi32, #tpu.memory_space<vmem>>) semaphore(%arg11 : memref<!tpu.dma_semaphore, #tpu.memory_space<semaphore_mem>>)
      %dma_wait3A = arith.constant 0 : i32
      %dma_wait3A_25 = tpu.memref_slice %arg7[%scan3A_19, %dma_wait3A] : memref<79x128xi32, #tpu.memory_space<vmem>> -> memref<1x128xi32, #tpu.memory_space<vmem>>
      %dma_wait3A_26 = tpu.memref_squeeze %dma_wait3A_25 : memref<1x128xi32, #tpu.memory_space<vmem>> -> memref<128xi32, #tpu.memory_space<vmem>>
      %dma_wait3A_27 = arith.constant 0 : i32
      %dma_wait3A_28 = arith.constant 0 : i32
      %dma_wait3A_29 = tpu.memref_slice %arg2[%dma_wait3A_27, %dma_wait3A_28] : memref<10000x128xf32, #tpu.memory_space<hbm>> -> memref<10000x128xf32, #tpu.memory_space<hbm>>
      tpu.wait_indirect_dma semaphore(%arg11 : memref<!tpu.dma_semaphore, #tpu.memory_space<semaphore_mem>>) src(%dma_wait3A_29 : memref<10000x128xf32, #tpu.memory_space<hbm>>) dst(%arg9 : memref<128x128xf32, #tpu.memory_space<vmem>>)
      "tpu.region"() ({
        %run_scoped3A = tpu.sem_alloc : memref<!tpu.dma_semaphore, #tpu.memory_space<semaphore_mem>>
        %dma_start3A_30 = arith.constant 0 : i32
        %dma_start3A_31 = tpu.memref_slice %arg8[%scan3A_19, %dma_start3A_30] : memref<79x128xi32, #tpu.memory_space<vmem>> -> memref<1x128xi32, #tpu.memory_space<vmem>>
        %dma_start3A_32 = tpu.memref_squeeze %dma_start3A_31 : memref<1x128xi32, #tpu.memory_space<vmem>> -> memref<128xi32, #tpu.memory_space<vmem>>
        %dma_start3A_33 = arith.constant 0 : i32
        %dma_start3A_34 = arith.constant 0 : i32
        %dma_start3A_35 = tpu.memref_slice %arg10[%dma_start3A_33, %dma_start3A_34] : memref<10240x128xf32, #tpu.memory_space<vmem_shared>> -> memref<10240x128xf32, #tpu.memory_space<vmem_shared>>
        tpu.enqueue_indirect_dma source(%arg9 : memref<128x128xf32, #tpu.memory_space<vmem>>) target(%dma_start3A_35 : memref<10240x128xf32, #tpu.memory_space<vmem_shared>>) offsets(%dma_start3A_32 : memref<128xi32, #tpu.memory_space<vmem>>) semaphore(%run_scoped3A : memref<!tpu.dma_semaphore, #tpu.memory_space<semaphore_mem>>) {add = true}
        %dma_wait3A_36 = arith.constant 0 : i32
        %dma_wait3A_37 = tpu.memref_slice %arg8[%scan3A_19, %dma_wait3A_36] : memref<79x128xi32, #tpu.memory_space<vmem>> -> memref<1x128xi32, #tpu.memory_space<vmem>>
        %dma_wait3A_38 = tpu.memref_squeeze %dma_wait3A_37 : memref<1x128xi32, #tpu.memory_space<vmem>> -> memref<128xi32, #tpu.memory_space<vmem>>
        %dma_wait3A_39 = arith.constant 0 : i32
        %dma_wait3A_40 = arith.constant 0 : i32
        %dma_wait3A_41 = tpu.memref_slice %arg10[%dma_wait3A_39, %dma_wait3A_40] : memref<10240x128xf32, #tpu.memory_space<vmem_shared>> -> memref<10240x128xf32, #tpu.memory_space<vmem_shared>>
        tpu.wait_indirect_dma semaphore(%run_scoped3A : memref<!tpu.dma_semaphore, #tpu.memory_space<semaphore_mem>>) src(%arg9 : memref<128x128xf32, #tpu.memory_space<vmem>>) dst(%dma_wait3A_41 : memref<10240x128xf32, #tpu.memory_space<vmem_shared>>)
        tpu.yield
      }) : () -> ()
    }
    %scan3A_7 = arith.constant 79 : i32
    %barrier3A_8 = arith.constant 0 : index
    tpu.barrier barrier_id(%barrier3A_8)
    %add3A_9 = arith.constant 0 : i32
    %add3A_10 = arith.addi %mul3A_2, %add3A_9 : i32
    "tpu.region"() ({
      %run_scoped3A = tpu.sem_alloc : memref<!tpu.dma_semaphore, #tpu.memory_space<semaphore_mem>>
      %dma_start3A = arith.constant 0 : i32
      %dma_start3A_19 = tpu.memref_slice %arg10[%add3A_10, %dma_start3A] : memref<10240x128xf32, #tpu.memory_space<vmem_shared>> -> memref<128x128xf32, #tpu.memory_space<vmem_shared>>
      %dma_start3A_20 = arith.constant 0 : i32
      %dma_start3A_21 = tpu.memref_slice %arg10[%add3A_10, %dma_start3A_20] : memref<10240x128xf32, #tpu.memory_space<vmem_shared>> -> memref<128x128xf32, #tpu.memory_space<vmem_shared>>
      tpu.enqueue_dma source(%dma_start3A_21 : memref<128x128xf32, #tpu.memory_space<vmem_shared>>) target(%arg9 : memref<128x128xf32, #tpu.memory_space<vmem>>) target_semaphore(%run_scoped3A : memref<!tpu.dma_semaphore, #tpu.memory_space<semaphore_mem>>)
      %dma_wait3A = arith.constant 0 : i32
      %dma_wait3A_22 = tpu.memref_slice %arg10[%add3A_10, %dma_wait3A] : memref<10240x128xf32, #tpu.memory_space<vmem_shared>> -> memref<128x128xf32, #tpu.memory_space<vmem_shared>>
      %dma_wait3A_23 = arith.constant 0 : i32
      %dma_wait3A_24 = tpu.memref_slice %arg10[%add3A_10, %dma_wait3A_23] : memref<10240x128xf32, #tpu.memory_space<vmem_shared>> -> memref<128x128xf32, #tpu.memory_space<vmem_shared>>
      tpu.wait_dma2 semaphore(%run_scoped3A : memref<!tpu.dma_semaphore, #tpu.memory_space<semaphore_mem>>) src(%dma_wait3A_24 : memref<128x128xf32, #tpu.memory_space<vmem_shared>>) dst(%arg9 : memref<128x128xf32, #tpu.memory_space<vmem>>)
      tpu.yield
    }) : () -> ()
    "tpu.region"() ({
      %run_scoped3A = tpu.sem_alloc : memref<!tpu.dma_semaphore, #tpu.memory_space<semaphore_mem>>
      %dma_start3A = arith.constant 0 : i32
      %dma_start3A_19 = tpu.memref_slice %arg6[%arg0, %add3A_10, %dma_start3A] : memref<2x10240x128xf32, #tpu.memory_space<hbm>> -> memref<1x128x128xf32, #tpu.memory_space<hbm>>
      %dma_start3A_20 = tpu.memref_squeeze %dma_start3A_19 : memref<1x128x128xf32, #tpu.memory_space<hbm>> -> memref<128x128xf32, #tpu.memory_space<hbm>>
      %dma_start3A_21 = arith.constant 0 : i32
      %dma_start3A_22 = tpu.memref_slice %arg6[%arg0, %add3A_10, %dma_start3A_21] : memref<2x10240x128xf32, #tpu.memory_space<hbm>> -> memref<1x128x128xf32, #tpu.memory_space<hbm>>
      %dma_start3A_23 = tpu.memref_squeeze %dma_start3A_22 : memref<1x128x128xf32, #tpu.memory_space<hbm>> -> memref<128x128xf32, #tpu.memory_space<hbm>>
      tpu.enqueue_dma source(%arg9 : memref<128x128xf32, #tpu.memory_space<vmem>>) target(%dma_start3A_23 : memref<128x128xf32, #tpu.memory_space<hbm>>) target_semaphore(%run_scoped3A : memref<!tpu.dma_semaphore, #tpu.memory_space<semaphore_mem>>)
      %dma_wait3A = arith.constant 0 : i32
      %dma_wait3A_24 = tpu.memref_slice %arg6[%arg0, %add3A_10, %dma_wait3A] : memref<2x10240x128xf32, #tpu.memory_space<hbm>> -> memref<1x128x128xf32, #tpu.memory_space<hbm>>
      %dma_wait3A_25 = tpu.memref_squeeze %dma_wait3A_24 : memref<1x128x128xf32, #tpu.memory_space<hbm>> -> memref<128x128xf32, #tpu.memory_space<hbm>>
      %dma_wait3A_26 = arith.constant 0 : i32
      %dma_wait3A_27 = tpu.memref_slice %arg6[%arg0, %add3A_10, %dma_wait3A_26] : memref<2x10240x128xf32, #tpu.memory_space<hbm>> -> memref<1x128x128xf32, #tpu.memory_space<hbm>>
      %dma_wait3A_28 = tpu.memref_squeeze %dma_wait3A_27 : memref<1x128x128xf32, #tpu.memory_space<hbm>> -> memref<128x128xf32, #tpu.memory_space<hbm>>
      tpu.wait_dma2 semaphore(%run_scoped3A : memref<!tpu.dma_semaphore, #tpu.memory_space<semaphore_mem>>) src(%arg9 : memref<128x128xf32, #tpu.memory_space<vmem>>) dst(%dma_wait3A_28 : memref<128x128xf32, #tpu.memory_space<hbm>>)
      tpu.yield
    }) : () -> ()
    %add3A_11 = arith.constant 128 : i32
    %add3A_12 = arith.addi %mul3A_2, %add3A_11 : i32
    "tpu.region"() ({
      %run_scoped3A = tpu.sem_alloc : memref<!tpu.dma_semaphore, #tpu.memory_space<semaphore_mem>>
      %dma_start3A = arith.constant 0 : i32
      %dma_start3A_19 = tpu.memref_slice %arg10[%add3A_12, %dma_start3A] : memref<10240x128xf32, #tpu.memory_space<vmem_shared>> -> memref<128x128xf32, #tpu.memory_space<vmem_shared>>
      %dma_start3A_20 = arith.constant 0 : i32
      %dma_start3A_21 = tpu.memref_slice %arg10[%add3A_12, %dma_start3A_20] : memref<10240x128xf32, #tpu.memory_space<vmem_shared>> -> memref<128x128xf32, #tpu.memory_space<vmem_shared>>
      tpu.enqueue_dma source(%dma_start3A_21 : memref<128x128xf32, #tpu.memory_space<vmem_shared>>) target(%arg9 : memref<128x128xf32, #tpu.memory_space<vmem>>) target_semaphore(%run_scoped3A : memref<!tpu.dma_semaphore, #tpu.memory_space<semaphore_mem>>)
      %dma_wait3A = arith.constant 0 : i32
      %dma_wait3A_22 = tpu.memref_slice %arg10[%add3A_12, %dma_wait3A] : memref<10240x128xf32, #tpu.memory_space<vmem_shared>> -> memref<128x128xf32, #tpu.memory_space<vmem_shared>>
      %dma_wait3A_23 = arith.constant 0 : i32
      %dma_wait3A_24 = tpu.memref_slice %arg10[%add3A_12, %dma_wait3A_23] : memref<10240x128xf32, #tpu.memory_space<vmem_shared>> -> memref<128x128xf32, #tpu.memory_space<vmem_shared>>
      tpu.wait_dma2 semaphore(%run_scoped3A : memref<!tpu.dma_semaphore, #tpu.memory_space<semaphore_mem>>) src(%dma_wait3A_24 : memref<128x128xf32, #tpu.memory_space<vmem_shared>>) dst(%arg9 : memref<128x128xf32, #tpu.memory_space<vmem>>)
      tpu.yield
    }) : () -> ()
    "tpu.region"() ({
      %run_scoped3A = tpu.sem_alloc : memref<!tpu.dma_semaphore, #tpu.memory_space<semaphore_mem>>
      %dma_start3A = arith.constant 0 : i32
      %dma_start3A_19 = tpu.memref_slice %arg6[%arg0, %add3A_12, %dma_start3A] : memref<2x10240x128xf32, #tpu.memory_space<hbm>> -> memref<1x128x128xf32, #tpu.memory_space<hbm>>
      %dma_start3A_20 = tpu.memref_squeeze %dma_start3A_19 : memref<1x128x128xf32, #tpu.memory_space<hbm>> -> memref<128x128xf32, #tpu.memory_space<hbm>>
      %dma_start3A_21 = arith.constant 0 : i32
      %dma_start3A_22 = tpu.memref_slice %arg6[%arg0, %add3A_12, %dma_start3A_21] : memref<2x10240x128xf32, #tpu.memory_space<hbm>> -> memref<1x128x128xf32, #tpu.memory_space<hbm>>
      %dma_start3A_23 = tpu.memref_squeeze %dma_start3A_22 : memref<1x128x128xf32, #tpu.memory_space<hbm>> -> memref<128x128xf32, #tpu.memory_space<hbm>>
      tpu.enqueue_dma source(%arg9 : memref<128x128xf32, #tpu.memory_space<vmem>>) target(%dma_start3A_23 : memref<128x128xf32, #tpu.memory_space<hbm>>) target_semaphore(%run_scoped3A : memref<!tpu.dma_semaphore, #tpu.memory_space<semaphore_mem>>)
      %dma_wait3A = arith.constant 0 : i32
      %dma_wait3A_24 = tpu.memref_slice %arg6[%arg0, %add3A_12, %dma_wait3A] : memref<2x10240x128xf32, #tpu.memory_space<hbm>> -> memref<1x128x128xf32, #tpu.memory_space<hbm>>
      %dma_wait3A_25 = tpu.memref_squeeze %dma_wait3A_24 : memref<1x128x128xf32, #tpu.memory_space<hbm>> -> memref<128x128xf32, #tpu.memory_space<hbm>>
      %dma_wait3A_26 = arith.constant 0 : i32
      %dma_wait3A_27 = tpu.memref_slice %arg6[%arg0, %add3A_12, %dma_wait3A_26] : memref<2x10240x128xf32, #tpu.memory_space<hbm>> -> memref<1x128x128xf32, #tpu.memory_space<hbm>>
      %dma_wait3A_28 = tpu.memref_squeeze %dma_wait3A_27 : memref<1x128x128xf32, #tpu.memory_space<hbm>> -> memref<128x128xf32, #tpu.memory_space<hbm>>
      tpu.wait_dma2 semaphore(%run_scoped3A : memref<!tpu.dma_semaphore, #tpu.memory_space<semaphore_mem>>) src(%arg9 : memref<128x128xf32, #tpu.memory_space<vmem>>) dst(%dma_wait3A_28 : memref<128x128xf32, #tpu.memory_space<hbm>>)
      tpu.yield
    }) : () -> ()
    %add3A_13 = arith.constant 256 : i32
    %add3A_14 = arith.addi %mul3A_2, %add3A_13 : i32
    "tpu.region"() ({
      %run_scoped3A = tpu.sem_alloc : memref<!tpu.dma_semaphore, #tpu.memory_space<semaphore_mem>>
      %dma_start3A = arith.constant 0 : i32
      %dma_start3A_19 = tpu.memref_slice %arg10[%add3A_14, %dma_start3A] : memref<10240x128xf32, #tpu.memory_space<vmem_shared>> -> memref<128x128xf32, #tpu.memory_space<vmem_shared>>
      %dma_start3A_20 = arith.constant 0 : i32
      %dma_start3A_21 = tpu.memref_slice %arg10[%add3A_14, %dma_start3A_20] : memref<10240x128xf32, #tpu.memory_space<vmem_shared>> -> memref<128x128xf32, #tpu.memory_space<vmem_shared>>
      tpu.enqueue_dma source(%dma_start3A_21 : memref<128x128xf32, #tpu.memory_space<vmem_shared>>) target(%arg9 : memref<128x128xf32, #tpu.memory_space<vmem>>) target_semaphore(%run_scoped3A : memref<!tpu.dma_semaphore, #tpu.memory_space<semaphore_mem>>)
      %dma_wait3A = arith.constant 0 : i32
      %dma_wait3A_22 = tpu.memref_slice %arg10[%add3A_14, %dma_wait3A] : memref<10240x128xf32, #tpu.memory_space<vmem_shared>> -> memref<128x128xf32, #tpu.memory_space<vmem_shared>>
      %dma_wait3A_23 = arith.constant 0 : i32
      %dma_wait3A_24 = tpu.memref_slice %arg10[%add3A_14, %dma_wait3A_23] : memref<10240x128xf32, #tpu.memory_space<vmem_shared>> -> memref<128x128xf32, #tpu.memory_space<vmem_shared>>
      tpu.wait_dma2 semaphore(%run_scoped3A : memref<!tpu.dma_semaphore, #tpu.memory_space<semaphore_mem>>) src(%dma_wait3A_24 : memref<128x128xf32, #tpu.memory_space<vmem_shared>>) dst(%arg9 : memref<128x128xf32, #tpu.memory_space<vmem>>)
      tpu.yield
    }) : () -> ()
    "tpu.region"() ({
      %run_scoped3A = tpu.sem_alloc : memref<!tpu.dma_semaphore, #tpu.memory_space<semaphore_mem>>
      %dma_start3A = arith.constant 0 : i32
      %dma_start3A_19 = tpu.memref_slice %arg6[%arg0, %add3A_14, %dma_start3A] : memref<2x10240x128xf32, #tpu.memory_space<hbm>> -> memref<1x128x128xf32, #tpu.memory_space<hbm>>
      %dma_start3A_20 = tpu.memref_squeeze %dma_start3A_19 : memref<1x128x128xf32, #tpu.memory_space<hbm>> -> memref<128x128xf32, #tpu.memory_space<hbm>>
      %dma_start3A_21 = arith.constant 0 : i32
      %dma_start3A_22 = tpu.memref_slice %arg6[%arg0, %add3A_14, %dma_start3A_21] : memref<2x10240x128xf32, #tpu.memory_space<hbm>> -> memref<1x128x128xf32, #tpu.memory_space<hbm>>
      %dma_start3A_23 = tpu.memref_squeeze %dma_start3A_22 : memref<1x128x128xf32, #tpu.memory_space<hbm>> -> memref<128x128xf32, #tpu.memory_space<hbm>>
      tpu.enqueue_dma source(%arg9 : memref<128x128xf32, #tpu.memory_space<vmem>>) target(%dma_start3A_23 : memref<128x128xf32, #tpu.memory_space<hbm>>) target_semaphore(%run_scoped3A : memref<!tpu.dma_semaphore, #tpu.memory_space<semaphore_mem>>)
      %dma_wait3A = arith.constant 0 : i32
      %dma_wait3A_24 = tpu.memref_slice %arg6[%arg0, %add3A_14, %dma_wait3A] : memref<2x10240x128xf32, #tpu.memory_space<hbm>> -> memref<1x128x128xf32, #tpu.memory_space<hbm>>
      %dma_wait3A_25 = tpu.memref_squeeze %dma_wait3A_24 : memref<1x128x128xf32, #tpu.memory_space<hbm>> -> memref<128x128xf32, #tpu.memory_space<hbm>>
      %dma_wait3A_26 = arith.constant 0 : i32
      %dma_wait3A_27 = tpu.memref_slice %arg6[%arg0, %add3A_14, %dma_wait3A_26] : memref<2x10240x128xf32, #tpu.memory_space<hbm>> -> memref<1x128x128xf32, #tpu.memory_space<hbm>>
      %dma_wait3A_28 = tpu.memref_squeeze %dma_wait3A_27 : memref<1x128x128xf32, #tpu.memory_space<hbm>> -> memref<128x128xf32, #tpu.memory_space<hbm>>
      tpu.wait_dma2 semaphore(%run_scoped3A : memref<!tpu.dma_semaphore, #tpu.memory_space<semaphore_mem>>) src(%arg9 : memref<128x128xf32, #tpu.memory_space<vmem>>) dst(%dma_wait3A_28 : memref<128x128xf32, #tpu.memory_space<hbm>>)
      tpu.yield
    }) : () -> ()
    %add3A_15 = arith.constant 384 : i32
    %add3A_16 = arith.addi %mul3A_2, %add3A_15 : i32
    "tpu.region"() ({
      %run_scoped3A = tpu.sem_alloc : memref<!tpu.dma_semaphore, #tpu.memory_space<semaphore_mem>>
      %dma_start3A = arith.constant 0 : i32
      %dma_start3A_19 = tpu.memref_slice %arg10[%add3A_16, %dma_start3A] : memref<10240x128xf32, #tpu.memory_space<vmem_shared>> -> memref<128x128xf32, #tpu.memory_space<vmem_shared>>
      %dma_start3A_20 = arith.constant 0 : i32
      %dma_start3A_21 = tpu.memref_slice %arg10[%add3A_16, %dma_start3A_20] : memref<10240x128xf32, #tpu.memory_space<vmem_shared>> -> memref<128x128xf32, #tpu.memory_space<vmem_shared>>
      tpu.enqueue_dma source(%dma_start3A_21 : memref<128x128xf32, #tpu.memory_space<vmem_shared>>) target(%arg9 : memref<128x128xf32, #tpu.memory_space<vmem>>) target_semaphore(%run_scoped3A : memref<!tpu.dma_semaphore, #tpu.memory_space<semaphore_mem>>)
      %dma_wait3A = arith.constant 0 : i32
      %dma_wait3A_22 = tpu.memref_slice %arg10[%add3A_16, %dma_wait3A] : memref<10240x128xf32, #tpu.memory_space<vmem_shared>> -> memref<128x128xf32, #tpu.memory_space<vmem_shared>>
      %dma_wait3A_23 = arith.constant 0 : i32
      %dma_wait3A_24 = tpu.memref_slice %arg10[%add3A_16, %dma_wait3A_23] : memref<10240x128xf32, #tpu.memory_space<vmem_shared>> -> memref<128x128xf32, #tpu.memory_space<vmem_shared>>
      tpu.wait_dma2 semaphore(%run_scoped3A : memref<!tpu.dma_semaphore, #tpu.memory_space<semaphore_mem>>) src(%dma_wait3A_24 : memref<128x128xf32, #tpu.memory_space<vmem_shared>>) dst(%arg9 : memref<128x128xf32, #tpu.memory_space<vmem>>)
      tpu.yield
    }) : () -> ()
    "tpu.region"() ({
      %run_scoped3A = tpu.sem_alloc : memref<!tpu.dma_semaphore, #tpu.memory_space<semaphore_mem>>
      %dma_start3A = arith.constant 0 : i32
      %dma_start3A_19 = tpu.memref_slice %arg6[%arg0, %add3A_16, %dma_start3A] : memref<2x10240x128xf32, #tpu.memory_space<hbm>> -> memref<1x128x128xf32, #tpu.memory_space<hbm>>
      %dma_start3A_20 = tpu.memref_squeeze %dma_start3A_19 : memref<1x128x128xf32, #tpu.memory_space<hbm>> -> memref<128x128xf32, #tpu.memory_space<hbm>>
      %dma_start3A_21 = arith.constant 0 : i32
      %dma_start3A_22 = tpu.memref_slice %arg6[%arg0, %add3A_16, %dma_start3A_21] : memref<2x10240x128xf32, #tpu.memory_space<hbm>> -> memref<1x128x128xf32, #tpu.memory_space<hbm>>
      %dma_start3A_23 = tpu.memref_squeeze %dma_start3A_22 : memref<1x128x128xf32, #tpu.memory_space<hbm>> -> memref<128x128xf32, #tpu.memory_space<hbm>>
      tpu.enqueue_dma source(%arg9 : memref<128x128xf32, #tpu.memory_space<vmem>>) target(%dma_start3A_23 : memref<128x128xf32, #tpu.memory_space<hbm>>) target_semaphore(%run_scoped3A : memref<!tpu.dma_semaphore, #tpu.memory_space<semaphore_mem>>)
      %dma_wait3A = arith.constant 0 : i32
      %dma_wait3A_24 = tpu.memref_slice %arg6[%arg0, %add3A_16, %dma_wait3A] : memref<2x10240x128xf32, #tpu.memory_space<hbm>> -> memref<1x128x128xf32, #tpu.memory_space<hbm>>
      %dma_wait3A_25 = tpu.memref_squeeze %dma_wait3A_24 : memref<1x128x128xf32, #tpu.memory_space<hbm>> -> memref<128x128xf32, #tpu.memory_space<hbm>>
      %dma_wait3A_26 = arith.constant 0 : i32
      %dma_wait3A_27 = tpu.memref_slice %arg6[%arg0, %add3A_16, %dma_wait3A_26] : memref<2x10240x128xf32, #tpu.memory_space<hbm>> -> memref<1x128x128xf32, #tpu.memory_space<hbm>>
      %dma_wait3A_28 = tpu.memref_squeeze %dma_wait3A_27 : memref<1x128x128xf32, #tpu.memory_space<hbm>> -> memref<128x128xf32, #tpu.memory_space<hbm>>
      tpu.wait_dma2 semaphore(%run_scoped3A : memref<!tpu.dma_semaphore, #tpu.memory_space<semaphore_mem>>) src(%arg9 : memref<128x128xf32, #tpu.memory_space<vmem>>) dst(%dma_wait3A_28 : memref<128x128xf32, #tpu.memory_space<hbm>>)
      tpu.yield
    }) : () -> ()
    %add3A_17 = arith.constant 512 : i32
    %add3A_18 = arith.addi %mul3A_2, %add3A_17 : i32
    "tpu.region"() ({
      %run_scoped3A = tpu.sem_alloc : memref<!tpu.dma_semaphore, #tpu.memory_space<semaphore_mem>>
      %dma_start3A = arith.constant 0 : i32
      %dma_start3A_19 = tpu.memref_slice %arg10[%add3A_18, %dma_start3A] : memref<10240x128xf32, #tpu.memory_space<vmem_shared>> -> memref<128x128xf32, #tpu.memory_space<vmem_shared>>
      %dma_start3A_20 = arith.constant 0 : i32
      %dma_start3A_21 = tpu.memref_slice %arg10[%add3A_18, %dma_start3A_20] : memref<10240x128xf32, #tpu.memory_space<vmem_shared>> -> memref<128x128xf32, #tpu.memory_space<vmem_shared>>
      tpu.enqueue_dma source(%dma_start3A_21 : memref<128x128xf32, #tpu.memory_space<vmem_shared>>) target(%arg9 : memref<128x128xf32, #tpu.memory_space<vmem>>) target_semaphore(%run_scoped3A : memref<!tpu.dma_semaphore, #tpu.memory_space<semaphore_mem>>)
      %dma_wait3A = arith.constant 0 : i32
      %dma_wait3A_22 = tpu.memref_slice %arg10[%add3A_18, %dma_wait3A] : memref<10240x128xf32, #tpu.memory_space<vmem_shared>> -> memref<128x128xf32, #tpu.memory_space<vmem_shared>>
      %dma_wait3A_23 = arith.constant 0 : i32
      %dma_wait3A_24 = tpu.memref_slice %arg10[%add3A_18, %dma_wait3A_23] : memref<10240x128xf32, #tpu.memory_space<vmem_shared>> -> memref<128x128xf32, #tpu.memory_space<vmem_shared>>
      tpu.wait_dma2 semaphore(%run_scoped3A : memref<!tpu.dma_semaphore, #tpu.memory_space<semaphore_mem>>) src(%dma_wait3A_24 : memref<128x128xf32, #tpu.memory_space<vmem_shared>>) dst(%arg9 : memref<128x128xf32, #tpu.memory_space<vmem>>)
      tpu.yield
    }) : () -> ()
    "tpu.region"() ({
      %run_scoped3A = tpu.sem_alloc : memref<!tpu.dma_semaphore, #tpu.memory_space<semaphore_mem>>
      %dma_start3A = arith.constant 0 : i32
      %dma_start3A_19 = tpu.memref_slice %arg6[%arg0, %add3A_18, %dma_start3A] : memref<2x10240x128xf32, #tpu.memory_space<hbm>> -> memref<1x128x128xf32, #tpu.memory_space<hbm>>
      %dma_start3A_20 = tpu.memref_squeeze %dma_start3A_19 : memref<1x128x128xf32, #tpu.memory_space<hbm>> -> memref<128x128xf32, #tpu.memory_space<hbm>>
      %dma_start3A_21 = arith.constant 0 : i32
      %dma_start3A_22 = tpu.memref_slice %arg6[%arg0, %add3A_18, %dma_start3A_21] : memref<2x10240x128xf32, #tpu.memory_space<hbm>> -> memref<1x128x128xf32, #tpu.memory_space<hbm>>
      %dma_start3A_23 = tpu.memref_squeeze %dma_start3A_22 : memref<1x128x128xf32, #tpu.memory_space<hbm>> -> memref<128x128xf32, #tpu.memory_space<hbm>>
      tpu.enqueue_dma source(%arg9 : memref<128x128xf32, #tpu.memory_space<vmem>>) target(%dma_start3A_23 : memref<128x128xf32, #tpu.memory_space<hbm>>) target_semaphore(%run_scoped3A : memref<!tpu.dma_semaphore, #tpu.memory_space<semaphore_mem>>)
      %dma_wait3A = arith.constant 0 : i32
      %dma_wait3A_24 = tpu.memref_slice %arg6[%arg0, %add3A_18, %dma_wait3A] : memref<2x10240x128xf32, #tpu.memory_space<hbm>> -> memref<1x128x128xf32, #tpu.memory_space<hbm>>
      %dma_wait3A_25 = tpu.memref_squeeze %dma_wait3A_24 : memref<1x128x128xf32, #tpu.memory_space<hbm>> -> memref<128x128xf32, #tpu.memory_space<hbm>>
      %dma_wait3A_26 = arith.constant 0 : i32
      %dma_wait3A_27 = tpu.memref_slice %arg6[%arg0, %add3A_18, %dma_wait3A_26] : memref<2x10240x128xf32, #tpu.memory_space<hbm>> -> memref<1x128x128xf32, #tpu.memory_space<hbm>>
      %dma_wait3A_28 = tpu.memref_squeeze %dma_wait3A_27 : memref<1x128x128xf32, #tpu.memory_space<hbm>> -> memref<128x128xf32, #tpu.memory_space<hbm>>
      tpu.wait_dma2 semaphore(%run_scoped3A : memref<!tpu.dma_semaphore, #tpu.memory_space<semaphore_mem>>) src(%arg9 : memref<128x128xf32, #tpu.memory_space<vmem>>) dst(%dma_wait3A_28 : memref<128x128xf32, #tpu.memory_space<hbm>>)
      tpu.yield
    }) : () -> ()
    return
  }
}

#map = affine_map<(d0, d1) -> (0, 0)>
#map1 = affine_map<(d0, d1) -> (0, 0, 0)>
module attributes {stable_mosaic.version = 14 : i64} {
  func.func @seg_sum(%arg0: i32, %arg1: i32, %arg2: memref<10000x128xf32, #tpu.memory_space<hbm>>, %arg3: memref<32x79x128xi32, #tpu.memory_space<hbm>>, %arg4: memref<32x79x128xi32, #tpu.memory_space<hbm>>, %arg5: memref<10240x128xf32, #tpu.memory_space<hbm>>, %arg6: memref<2x10240x128xf32, #tpu.memory_space<hbm>>, %arg7: memref<79x128xi32, #tpu.memory_space<vmem>>, %arg8: memref<79x128xi32, #tpu.memory_space<vmem>>, %arg9: memref<128x128xf32, #tpu.memory_space<vmem>>, %arg10: memref<10240x128xf32, #tpu.memory_space<vmem_shared>>, %arg11: memref<!tpu.dma_semaphore, #tpu.memory_space<semaphore_mem>>) attributes {dimension_semantics = [#tpu.dimension_semantics<core_parallel>, #tpu.dimension_semantics<subcore_parallel>], iteration_bounds = array<i64: 2, 16>, scalar_prefetch = 0 : i64, scratch_operands = 5 : i64, tpu.core_type = #tpu.core_type<sc_vector_subcore>, window_params = [{transform_indices = #map}, {transform_indices = #map1}, {transform_indices = #map1}, {transform_indices = #map}, {transform_indices = #map1}]} {
    %mul3A = arith.constant 16 : i32
    %mul3A_0 = arith.muli %arg0, %mul3A : i32
    %add3A = arith.addi %mul3A_0, %arg1 : i32
    %mul3A_1 = arith.constant 640 : i32
    %mul3A_2 = arith.muli %arg1, %mul3A_1 : i32
    "tpu.region"() ({
      %run_scoped3A = tpu.sem_alloc : memref<!tpu.dma_semaphore, #tpu.memory_space<semaphore_mem>>
      %dma_start3A = arith.constant 0 : i32
      %dma_start3A_19 = tpu.memref_slice %arg10[%mul3A_2, %dma_start3A] : memref<10240x128xf32, #tpu.memory_space<vmem_shared>> -> memref<640x128xf32, #tpu.memory_space<vmem_shared>>
      %dma_start3A_20 = arith.constant 0 : i32
      %dma_start3A_21 = tpu.memref_slice %arg5[%mul3A_2, %dma_start3A_20] : memref<10240x128xf32, #tpu.memory_space<hbm>> -> memref<640x128xf32, #tpu.memory_space<hbm>>
      tpu.enqueue_dma source(%dma_start3A_21 : memref<640x128xf32, #tpu.memory_space<hbm>>) target(%dma_start3A_19 : memref<640x128xf32, #tpu.memory_space<vmem_shared>>) target_semaphore(%run_scoped3A : memref<!tpu.dma_semaphore, #tpu.memory_space<semaphore_mem>>)
      %dma_wait3A = arith.constant 0 : i32
      %dma_wait3A_22 = tpu.memref_slice %arg10[%mul3A_2, %dma_wait3A] : memref<10240x128xf32, #tpu.memory_space<vmem_shared>> -> memref<640x128xf32, #tpu.memory_space<vmem_shared>>
      %dma_wait3A_23 = arith.constant 0 : i32
      %dma_wait3A_24 = tpu.memref_slice %arg5[%mul3A_2, %dma_wait3A_23] : memref<10240x128xf32, #tpu.memory_space<hbm>> -> memref<640x128xf32, #tpu.memory_space<hbm>>
      tpu.wait_dma2 semaphore(%run_scoped3A : memref<!tpu.dma_semaphore, #tpu.memory_space<semaphore_mem>>) src(%dma_wait3A_24 : memref<640x128xf32, #tpu.memory_space<hbm>>) dst(%dma_wait3A_22 : memref<640x128xf32, #tpu.memory_space<vmem_shared>>)
      tpu.yield
    }) : () -> ()
    "tpu.region"() ({
      %run_scoped3A = tpu.sem_alloc : memref<!tpu.dma_semaphore, #tpu.memory_space<semaphore_mem>>
      %dma_start3A = arith.constant 0 : i32
      %dma_start3A_19 = arith.constant 0 : i32
      %dma_start3A_20 = tpu.memref_slice %arg3[%add3A, %dma_start3A, %dma_start3A_19] : memref<32x79x128xi32, #tpu.memory_space<hbm>> -> memref<1x79x128xi32, #tpu.memory_space<hbm>>
      %dma_start3A_21 = tpu.memref_squeeze %dma_start3A_20 : memref<1x79x128xi32, #tpu.memory_space<hbm>> -> memref<79x128xi32, #tpu.memory_space<hbm>>
      %dma_start3A_22 = arith.constant 0 : i32
      %dma_start3A_23 = arith.constant 0 : i32
      %dma_start3A_24 = tpu.memref_slice %arg3[%add3A, %dma_start3A_22, %dma_start3A_23] : memref<32x79x128xi32, #tpu.memory_space<hbm>> -> memref<1x79x128xi32, #tpu.memory_space<hbm>>
      %dma_start3A_25 = tpu.memref_squeeze %dma_start3A_24 : memref<1x79x128xi32, #tpu.memory_space<hbm>> -> memref<79x128xi32, #tpu.memory_space<hbm>>
      tpu.enqueue_dma source(%dma_start3A_25 : memref<79x128xi32, #tpu.memory_space<hbm>>) target(%arg7 : memref<79x128xi32, #tpu.memory_space<vmem>>) target_semaphore(%run_scoped3A : memref<!tpu.dma_semaphore, #tpu.memory_space<semaphore_mem>>)
      %dma_wait3A = arith.constant 0 : i32
      %dma_wait3A_26 = arith.constant 0 : i32
      %dma_wait3A_27 = tpu.memref_slice %arg3[%add3A, %dma_wait3A, %dma_wait3A_26] : memref<32x79x128xi32, #tpu.memory_space<hbm>> -> memref<1x79x128xi32, #tpu.memory_space<hbm>>
      %dma_wait3A_28 = tpu.memref_squeeze %dma_wait3A_27 : memref<1x79x128xi32, #tpu.memory_space<hbm>> -> memref<79x128xi32, #tpu.memory_space<hbm>>
      %dma_wait3A_29 = arith.constant 0 : i32
      %dma_wait3A_30 = arith.constant 0 : i32
      %dma_wait3A_31 = tpu.memref_slice %arg3[%add3A, %dma_wait3A_29, %dma_wait3A_30] : memref<32x79x128xi32, #tpu.memory_space<hbm>> -> memref<1x79x128xi32, #tpu.memory_space<hbm>>
      %dma_wait3A_32 = tpu.memref_squeeze %dma_wait3A_31 : memref<1x79x128xi32, #tpu.memory_space<hbm>> -> memref<79x128xi32, #tpu.memory_space<hbm>>
      tpu.wait_dma2 semaphore(%run_scoped3A : memref<!tpu.dma_semaphore, #tpu.memory_space<semaphore_mem>>) src(%dma_wait3A_32 : memref<79x128xi32, #tpu.memory_space<hbm>>) dst(%arg7 : memref<79x128xi32, #tpu.memory_space<vmem>>)
      tpu.yield
    }) : () -> ()
    "tpu.region"() ({
      %run_scoped3A = tpu.sem_alloc : memref<!tpu.dma_semaphore, #tpu.memory_space<semaphore_mem>>
      %dma_start3A = arith.constant 0 : i32
      %dma_start3A_19 = arith.constant 0 : i32
      %dma_start3A_20 = tpu.memref_slice %arg4[%add3A, %dma_start3A, %dma_start3A_19] : memref<32x79x128xi32, #tpu.memory_space<hbm>> -> memref<1x79x128xi32, #tpu.memory_space<hbm>>
      %dma_start3A_21 = tpu.memref_squeeze %dma_start3A_20 : memref<1x79x128xi32, #tpu.memory_space<hbm>> -> memref<79x128xi32, #tpu.memory_space<hbm>>
      %dma_start3A_22 = arith.constant 0 : i32
      %dma_start3A_23 = arith.constant 0 : i32
      %dma_start3A_24 = tpu.memref_slice %arg4[%add3A, %dma_start3A_22, %dma_start3A_23] : memref<32x79x128xi32, #tpu.memory_space<hbm>> -> memref<1x79x128xi32, #tpu.memory_space<hbm>>
      %dma_start3A_25 = tpu.memref_squeeze %dma_start3A_24 : memref<1x79x128xi32, #tpu.memory_space<hbm>> -> memref<79x128xi32, #tpu.memory_space<hbm>>
      tpu.enqueue_dma source(%dma_start3A_25 : memref<79x128xi32, #tpu.memory_space<hbm>>) target(%arg8 : memref<79x128xi32, #tpu.memory_space<vmem>>) target_semaphore(%run_scoped3A : memref<!tpu.dma_semaphore, #tpu.memory_space<semaphore_mem>>)
      %dma_wait3A = arith.constant 0 : i32
      %dma_wait3A_26 = arith.constant 0 : i32
      %dma_wait3A_27 = tpu.memref_slice %arg4[%add3A, %dma_wait3A, %dma_wait3A_26] : memref<32x79x128xi32, #tpu.memory_space<hbm>> -> memref<1x79x128xi32, #tpu.memory_space<hbm>>
      %dma_wait3A_28 = tpu.memref_squeeze %dma_wait3A_27 : memref<1x79x128xi32, #tpu.memory_space<hbm>> -> memref<79x128xi32, #tpu.memory_space<hbm>>
      %dma_wait3A_29 = arith.constant 0 : i32
      %dma_wait3A_30 = arith.constant 0 : i32
      %dma_wait3A_31 = tpu.memref_slice %arg4[%add3A, %dma_wait3A_29, %dma_wait3A_30] : memref<32x79x128xi32, #tpu.memory_space<hbm>> -> memref<1x79x128xi32, #tpu.memory_space<hbm>>
      %dma_wait3A_32 = tpu.memref_squeeze %dma_wait3A_31 : memref<1x79x128xi32, #tpu.memory_space<hbm>> -> memref<79x128xi32, #tpu.memory_space<hbm>>
      tpu.wait_dma2 semaphore(%run_scoped3A : memref<!tpu.dma_semaphore, #tpu.memory_space<semaphore_mem>>) src(%dma_wait3A_32 : memref<79x128xi32, #tpu.memory_space<hbm>>) dst(%arg8 : memref<79x128xi32, #tpu.memory_space<vmem>>)
      tpu.yield
    }) : () -> ()
    %barrier3A = arith.constant 0 : index
    tpu.barrier barrier_id(%barrier3A)
    %scan3A = arith.constant 0 : i32
    %scan3A_3 = arith.constant 0 : i32
    %scan3A_4 = arith.constant 79 : i32
    %scan3A_5 = arith.addi %scan3A_3, %scan3A_4 : i32
    %scan3A_6 = arith.constant 1 : i32
    scf.for %scan3A_19 = %scan3A_3 to %scan3A_5 step %scan3A_6  : i32 {
      %dma_start3A = arith.constant 0 : i32
      %dma_start3A_20 = tpu.memref_slice %arg7[%scan3A_19, %dma_start3A] : memref<79x128xi32, #tpu.memory_space<vmem>> -> memref<1x128xi32, #tpu.memory_space<vmem>>
      %dma_start3A_21 = tpu.memref_squeeze %dma_start3A_20 : memref<1x128xi32, #tpu.memory_space<vmem>> -> memref<128xi32, #tpu.memory_space<vmem>>
      %dma_start3A_22 = arith.constant 0 : i32
      %dma_start3A_23 = arith.constant 0 : i32
      %dma_start3A_24 = tpu.memref_slice %arg2[%dma_start3A_22, %dma_start3A_23] : memref<10000x128xf32, #tpu.memory_space<hbm>> -> memref<10000x128xf32, #tpu.memory_space<hbm>>
      tpu.enqueue_indirect_dma source(%dma_start3A_24 : memref<10000x128xf32, #tpu.memory_space<hbm>>) target(%arg9 : memref<128x128xf32, #tpu.memory_space<vmem>>) offsets(%dma_start3A_21 : memref<128xi32, #tpu.memory_space<vmem>>) semaphore(%arg11 : memref<!tpu.dma_semaphore, #tpu.memory_space<semaphore_mem>>)
      %dma_wait3A = arith.constant 0 : i32
      %dma_wait3A_25 = tpu.memref_slice %arg7[%scan3A_19, %dma_wait3A] : memref<79x128xi32, #tpu.memory_space<vmem>> -> memref<1x128xi32, #tpu.memory_space<vmem>>
      %dma_wait3A_26 = tpu.memref_squeeze %dma_wait3A_25 : memref<1x128xi32, #tpu.memory_space<vmem>> -> memref<128xi32, #tpu.memory_space<vmem>>
      %dma_wait3A_27 = arith.constant 0 : i32
      %dma_wait3A_28 = arith.constant 0 : i32
      %dma_wait3A_29 = tpu.memref_slice %arg2[%dma_wait3A_27, %dma_wait3A_28] : memref<10000x128xf32, #tpu.memory_space<hbm>> -> memref<10000x128xf32, #tpu.memory_space<hbm>>
      tpu.wait_indirect_dma semaphore(%arg11 : memref<!tpu.dma_semaphore, #tpu.memory_space<semaphore_mem>>) src(%dma_wait3A_29 : memref<10000x128xf32, #tpu.memory_space<hbm>>) dst(%arg9 : memref<128x128xf32, #tpu.memory_space<vmem>>)
      "tpu.region"() ({
        %run_scoped3A = tpu.sem_alloc : memref<!tpu.dma_semaphore, #tpu.memory_space<semaphore_mem>>
        %dma_start3A_30 = arith.constant 0 : i32
        %dma_start3A_31 = tpu.memref_slice %arg8[%scan3A_19, %dma_start3A_30] : memref<79x128xi32, #tpu.memory_space<vmem>> -> memref<1x128xi32, #tpu.memory_space<vmem>>
        %dma_start3A_32 = tpu.memref_squeeze %dma_start3A_31 : memref<1x128xi32, #tpu.memory_space<vmem>> -> memref<128xi32, #tpu.memory_space<vmem>>
        %dma_start3A_33 = arith.constant 0 : i32
        %dma_start3A_34 = arith.constant 0 : i32
        %dma_start3A_35 = tpu.memref_slice %arg10[%dma_start3A_33, %dma_start3A_34] : memref<10240x128xf32, #tpu.memory_space<vmem_shared>> -> memref<10240x128xf32, #tpu.memory_space<vmem_shared>>
        tpu.enqueue_indirect_dma source(%arg9 : memref<128x128xf32, #tpu.memory_space<vmem>>) target(%dma_start3A_35 : memref<10240x128xf32, #tpu.memory_space<vmem_shared>>) offsets(%dma_start3A_32 : memref<128xi32, #tpu.memory_space<vmem>>) semaphore(%run_scoped3A : memref<!tpu.dma_semaphore, #tpu.memory_space<semaphore_mem>>) {add = true}
        %dma_wait3A_36 = arith.constant 0 : i32
        %dma_wait3A_37 = tpu.memref_slice %arg8[%scan3A_19, %dma_wait3A_36] : memref<79x128xi32, #tpu.memory_space<vmem>> -> memref<1x128xi32, #tpu.memory_space<vmem>>
        %dma_wait3A_38 = tpu.memref_squeeze %dma_wait3A_37 : memref<1x128xi32, #tpu.memory_space<vmem>> -> memref<128xi32, #tpu.memory_space<vmem>>
        %dma_wait3A_39 = arith.constant 0 : i32
        %dma_wait3A_40 = arith.constant 0 : i32
        %dma_wait3A_41 = tpu.memref_slice %arg10[%dma_wait3A_39, %dma_wait3A_40] : memref<10240x128xf32, #tpu.memory_space<vmem_shared>> -> memref<10240x128xf32, #tpu.memory_space<vmem_shared>>
        tpu.wait_indirect_dma semaphore(%run_scoped3A : memref<!tpu.dma_semaphore, #tpu.memory_space<semaphore_mem>>) src(%arg9 : memref<128x128xf32, #tpu.memory_space<vmem>>) dst(%dma_wait3A_41 : memref<10240x128xf32, #tpu.memory_space<vmem_shared>>)
        tpu.yield
      }) : () -> ()
    }
    %scan3A_7 = arith.constant 79 : i32
    %barrier3A_8 = arith.constant 0 : index
    tpu.barrier barrier_id(%barrier3A_8)
    %add3A_9 = arith.constant 0 : i32
    %add3A_10 = arith.addi %mul3A_2, %add3A_9 : i32
    "tpu.region"() ({
      %run_scoped3A = tpu.sem_alloc : memref<!tpu.dma_semaphore, #tpu.memory_space<semaphore_mem>>
      %dma_start3A = arith.constant 0 : i32
      %dma_start3A_19 = tpu.memref_slice %arg10[%add3A_10, %dma_start3A] : memref<10240x128xf32, #tpu.memory_space<vmem_shared>> -> memref<128x128xf32, #tpu.memory_space<vmem_shared>>
      %dma_start3A_20 = arith.constant 0 : i32
      %dma_start3A_21 = tpu.memref_slice %arg10[%add3A_10, %dma_start3A_20] : memref<10240x128xf32, #tpu.memory_space<vmem_shared>> -> memref<128x128xf32, #tpu.memory_space<vmem_shared>>
      tpu.enqueue_dma source(%dma_start3A_21 : memref<128x128xf32, #tpu.memory_space<vmem_shared>>) target(%arg9 : memref<128x128xf32, #tpu.memory_space<vmem>>) target_semaphore(%run_scoped3A : memref<!tpu.dma_semaphore, #tpu.memory_space<semaphore_mem>>)
      %dma_wait3A = arith.constant 0 : i32
      %dma_wait3A_22 = tpu.memref_slice %arg10[%add3A_10, %dma_wait3A] : memref<10240x128xf32, #tpu.memory_space<vmem_shared>> -> memref<128x128xf32, #tpu.memory_space<vmem_shared>>
      %dma_wait3A_23 = arith.constant 0 : i32
      %dma_wait3A_24 = tpu.memref_slice %arg10[%add3A_10, %dma_wait3A_23] : memref<10240x128xf32, #tpu.memory_space<vmem_shared>> -> memref<128x128xf32, #tpu.memory_space<vmem_shared>>
      tpu.wait_dma2 semaphore(%run_scoped3A : memref<!tpu.dma_semaphore, #tpu.memory_space<semaphore_mem>>) src(%dma_wait3A_24 : memref<128x128xf32, #tpu.memory_space<vmem_shared>>) dst(%arg9 : memref<128x128xf32, #tpu.memory_space<vmem>>)
      tpu.yield
    }) : () -> ()
    "tpu.region"() ({
      %run_scoped3A = tpu.sem_alloc : memref<!tpu.dma_semaphore, #tpu.memory_space<semaphore_mem>>
      %dma_start3A = arith.constant 0 : i32
      %dma_start3A_19 = tpu.memref_slice %arg6[%arg0, %add3A_10, %dma_start3A] : memref<2x10240x128xf32, #tpu.memory_space<hbm>> -> memref<1x128x128xf32, #tpu.memory_space<hbm>>
      %dma_start3A_20 = tpu.memref_squeeze %dma_start3A_19 : memref<1x128x128xf32, #tpu.memory_space<hbm>> -> memref<128x128xf32, #tpu.memory_space<hbm>>
      %dma_start3A_21 = arith.constant 0 : i32
      %dma_start3A_22 = tpu.memref_slice %arg6[%arg0, %add3A_10, %dma_start3A_21] : memref<2x10240x128xf32, #tpu.memory_space<hbm>> -> memref<1x128x128xf32, #tpu.memory_space<hbm>>
      %dma_start3A_23 = tpu.memref_squeeze %dma_start3A_22 : memref<1x128x128xf32, #tpu.memory_space<hbm>> -> memref<128x128xf32, #tpu.memory_space<hbm>>
      tpu.enqueue_dma source(%arg9 : memref<128x128xf32, #tpu.memory_space<vmem>>) target(%dma_start3A_23 : memref<128x128xf32, #tpu.memory_space<hbm>>) target_semaphore(%run_scoped3A : memref<!tpu.dma_semaphore, #tpu.memory_space<semaphore_mem>>)
      %dma_wait3A = arith.constant 0 : i32
      %dma_wait3A_24 = tpu.memref_slice %arg6[%arg0, %add3A_10, %dma_wait3A] : memref<2x10240x128xf32, #tpu.memory_space<hbm>> -> memref<1x128x128xf32, #tpu.memory_space<hbm>>
      %dma_wait3A_25 = tpu.memref_squeeze %dma_wait3A_24 : memref<1x128x128xf32, #tpu.memory_space<hbm>> -> memref<128x128xf32, #tpu.memory_space<hbm>>
      %dma_wait3A_26 = arith.constant 0 : i32
      %dma_wait3A_27 = tpu.memref_slice %arg6[%arg0, %add3A_10, %dma_wait3A_26] : memref<2x10240x128xf32, #tpu.memory_space<hbm>> -> memref<1x128x128xf32, #tpu.memory_space<hbm>>
      %dma_wait3A_28 = tpu.memref_squeeze %dma_wait3A_27 : memref<1x128x128xf32, #tpu.memory_space<hbm>> -> memref<128x128xf32, #tpu.memory_space<hbm>>
      tpu.wait_dma2 semaphore(%run_scoped3A : memref<!tpu.dma_semaphore, #tpu.memory_space<semaphore_mem>>) src(%arg9 : memref<128x128xf32, #tpu.memory_space<vmem>>) dst(%dma_wait3A_28 : memref<128x128xf32, #tpu.memory_space<hbm>>)
      tpu.yield
    }) : () -> ()
    %add3A_11 = arith.constant 128 : i32
    %add3A_12 = arith.addi %mul3A_2, %add3A_11 : i32
    "tpu.region"() ({
      %run_scoped3A = tpu.sem_alloc : memref<!tpu.dma_semaphore, #tpu.memory_space<semaphore_mem>>
      %dma_start3A = arith.constant 0 : i32
      %dma_start3A_19 = tpu.memref_slice %arg10[%add3A_12, %dma_start3A] : memref<10240x128xf32, #tpu.memory_space<vmem_shared>> -> memref<128x128xf32, #tpu.memory_space<vmem_shared>>
      %dma_start3A_20 = arith.constant 0 : i32
      %dma_start3A_21 = tpu.memref_slice %arg10[%add3A_12, %dma_start3A_20] : memref<10240x128xf32, #tpu.memory_space<vmem_shared>> -> memref<128x128xf32, #tpu.memory_space<vmem_shared>>
      tpu.enqueue_dma source(%dma_start3A_21 : memref<128x128xf32, #tpu.memory_space<vmem_shared>>) target(%arg9 : memref<128x128xf32, #tpu.memory_space<vmem>>) target_semaphore(%run_scoped3A : memref<!tpu.dma_semaphore, #tpu.memory_space<semaphore_mem>>)
      %dma_wait3A = arith.constant 0 : i32
      %dma_wait3A_22 = tpu.memref_slice %arg10[%add3A_12, %dma_wait3A] : memref<10240x128xf32, #tpu.memory_space<vmem_shared>> -> memref<128x128xf32, #tpu.memory_space<vmem_shared>>
      %dma_wait3A_23 = arith.constant 0 : i32
      %dma_wait3A_24 = tpu.memref_slice %arg10[%add3A_12, %dma_wait3A_23] : memref<10240x128xf32, #tpu.memory_space<vmem_shared>> -> memref<128x128xf32, #tpu.memory_space<vmem_shared>>
      tpu.wait_dma2 semaphore(%run_scoped3A : memref<!tpu.dma_semaphore, #tpu.memory_space<semaphore_mem>>) src(%dma_wait3A_24 : memref<128x128xf32, #tpu.memory_space<vmem_shared>>) dst(%arg9 : memref<128x128xf32, #tpu.memory_space<vmem>>)
      tpu.yield
    }) : () -> ()
    "tpu.region"() ({
      %run_scoped3A = tpu.sem_alloc : memref<!tpu.dma_semaphore, #tpu.memory_space<semaphore_mem>>
      %dma_start3A = arith.constant 0 : i32
      %dma_start3A_19 = tpu.memref_slice %arg6[%arg0, %add3A_12, %dma_start3A] : memref<2x10240x128xf32, #tpu.memory_space<hbm>> -> memref<1x128x128xf32, #tpu.memory_space<hbm>>
      %dma_start3A_20 = tpu.memref_squeeze %dma_start3A_19 : memref<1x128x128xf32, #tpu.memory_space<hbm>> -> memref<128x128xf32, #tpu.memory_space<hbm>>
      %dma_start3A_21 = arith.constant 0 : i32
      %dma_start3A_22 = tpu.memref_slice %arg6[%arg0, %add3A_12, %dma_start3A_21] : memref<2x10240x128xf32, #tpu.memory_space<hbm>> -> memref<1x128x128xf32, #tpu.memory_space<hbm>>
      %dma_start3A_23 = tpu.memref_squeeze %dma_start3A_22 : memref<1x128x128xf32, #tpu.memory_space<hbm>> -> memref<128x128xf32, #tpu.memory_space<hbm>>
      tpu.enqueue_dma source(%arg9 : memref<128x128xf32, #tpu.memory_space<vmem>>) target(%dma_start3A_23 : memref<128x128xf32, #tpu.memory_space<hbm>>) target_semaphore(%run_scoped3A : memref<!tpu.dma_semaphore, #tpu.memory_space<semaphore_mem>>)
      %dma_wait3A = arith.constant 0 : i32
      %dma_wait3A_24 = tpu.memref_slice %arg6[%arg0, %add3A_12, %dma_wait3A] : memref<2x10240x128xf32, #tpu.memory_space<hbm>> -> memref<1x128x128xf32, #tpu.memory_space<hbm>>
      %dma_wait3A_25 = tpu.memref_squeeze %dma_wait3A_24 : memref<1x128x128xf32, #tpu.memory_space<hbm>> -> memref<128x128xf32, #tpu.memory_space<hbm>>
      %dma_wait3A_26 = arith.constant 0 : i32
      %dma_wait3A_27 = tpu.memref_slice %arg6[%arg0, %add3A_12, %dma_wait3A_26] : memref<2x10240x128xf32, #tpu.memory_space<hbm>> -> memref<1x128x128xf32, #tpu.memory_space<hbm>>
      %dma_wait3A_28 = tpu.memref_squeeze %dma_wait3A_27 : memref<1x128x128xf32, #tpu.memory_space<hbm>> -> memref<128x128xf32, #tpu.memory_space<hbm>>
      tpu.wait_dma2 semaphore(%run_scoped3A : memref<!tpu.dma_semaphore, #tpu.memory_space<semaphore_mem>>) src(%arg9 : memref<128x128xf32, #tpu.memory_space<vmem>>) dst(%dma_wait3A_28 : memref<128x128xf32, #tpu.memory_space<hbm>>)
      tpu.yield
    }) : () -> ()
    %add3A_13 = arith.constant 256 : i32
    %add3A_14 = arith.addi %mul3A_2, %add3A_13 : i32
    "tpu.region"() ({
      %run_scoped3A = tpu.sem_alloc : memref<!tpu.dma_semaphore, #tpu.memory_space<semaphore_mem>>
      %dma_start3A = arith.constant 0 : i32
      %dma_start3A_19 = tpu.memref_slice %arg10[%add3A_14, %dma_start3A] : memref<10240x128xf32, #tpu.memory_space<vmem_shared>> -> memref<128x128xf32, #tpu.memory_space<vmem_shared>>
      %dma_start3A_20 = arith.constant 0 : i32
      %dma_start3A_21 = tpu.memref_slice %arg10[%add3A_14, %dma_start3A_20] : memref<10240x128xf32, #tpu.memory_space<vmem_shared>> -> memref<128x128xf32, #tpu.memory_space<vmem_shared>>
      tpu.enqueue_dma source(%dma_start3A_21 : memref<128x128xf32, #tpu.memory_space<vmem_shared>>) target(%arg9 : memref<128x128xf32, #tpu.memory_space<vmem>>) target_semaphore(%run_scoped3A : memref<!tpu.dma_semaphore, #tpu.memory_space<semaphore_mem>>)
      %dma_wait3A = arith.constant 0 : i32
      %dma_wait3A_22 = tpu.memref_slice %arg10[%add3A_14, %dma_wait3A] : memref<10240x128xf32, #tpu.memory_space<vmem_shared>> -> memref<128x128xf32, #tpu.memory_space<vmem_shared>>
      %dma_wait3A_23 = arith.constant 0 : i32
      %dma_wait3A_24 = tpu.memref_slice %arg10[%add3A_14, %dma_wait3A_23] : memref<10240x128xf32, #tpu.memory_space<vmem_shared>> -> memref<128x128xf32, #tpu.memory_space<vmem_shared>>
      tpu.wait_dma2 semaphore(%run_scoped3A : memref<!tpu.dma_semaphore, #tpu.memory_space<semaphore_mem>>) src(%dma_wait3A_24 : memref<128x128xf32, #tpu.memory_space<vmem_shared>>) dst(%arg9 : memref<128x128xf32, #tpu.memory_space<vmem>>)
      tpu.yield
    }) : () -> ()
    "tpu.region"() ({
      %run_scoped3A = tpu.sem_alloc : memref<!tpu.dma_semaphore, #tpu.memory_space<semaphore_mem>>
      %dma_start3A = arith.constant 0 : i32
      %dma_start3A_19 = tpu.memref_slice %arg6[%arg0, %add3A_14, %dma_start3A] : memref<2x10240x128xf32, #tpu.memory_space<hbm>> -> memref<1x128x128xf32, #tpu.memory_space<hbm>>
      %dma_start3A_20 = tpu.memref_squeeze %dma_start3A_19 : memref<1x128x128xf32, #tpu.memory_space<hbm>> -> memref<128x128xf32, #tpu.memory_space<hbm>>
      %dma_start3A_21 = arith.constant 0 : i32
      %dma_start3A_22 = tpu.memref_slice %arg6[%arg0, %add3A_14, %dma_start3A_21] : memref<2x10240x128xf32, #tpu.memory_space<hbm>> -> memref<1x128x128xf32, #tpu.memory_space<hbm>>
      %dma_start3A_23 = tpu.memref_squeeze %dma_start3A_22 : memref<1x128x128xf32, #tpu.memory_space<hbm>> -> memref<128x128xf32, #tpu.memory_space<hbm>>
      tpu.enqueue_dma source(%arg9 : memref<128x128xf32, #tpu.memory_space<vmem>>) target(%dma_start3A_23 : memref<128x128xf32, #tpu.memory_space<hbm>>) target_semaphore(%run_scoped3A : memref<!tpu.dma_semaphore, #tpu.memory_space<semaphore_mem>>)
      %dma_wait3A = arith.constant 0 : i32
      %dma_wait3A_24 = tpu.memref_slice %arg6[%arg0, %add3A_14, %dma_wait3A] : memref<2x10240x128xf32, #tpu.memory_space<hbm>> -> memref<1x128x128xf32, #tpu.memory_space<hbm>>
      %dma_wait3A_25 = tpu.memref_squeeze %dma_wait3A_24 : memref<1x128x128xf32, #tpu.memory_space<hbm>> -> memref<128x128xf32, #tpu.memory_space<hbm>>
      %dma_wait3A_26 = arith.constant 0 : i32
      %dma_wait3A_27 = tpu.memref_slice %arg6[%arg0, %add3A_14, %dma_wait3A_26] : memref<2x10240x128xf32, #tpu.memory_space<hbm>> -> memref<1x128x128xf32, #tpu.memory_space<hbm>>
      %dma_wait3A_28 = tpu.memref_squeeze %dma_wait3A_27 : memref<1x128x128xf32, #tpu.memory_space<hbm>> -> memref<128x128xf32, #tpu.memory_space<hbm>>
      tpu.wait_dma2 semaphore(%run_scoped3A : memref<!tpu.dma_semaphore, #tpu.memory_space<semaphore_mem>>) src(%arg9 : memref<128x128xf32, #tpu.memory_space<vmem>>) dst(%dma_wait3A_28 : memref<128x128xf32, #tpu.memory_space<hbm>>)
      tpu.yield
    }) : () -> ()
    %add3A_15 = arith.constant 384 : i32
    %add3A_16 = arith.addi %mul3A_2, %add3A_15 : i32
    "tpu.region"() ({
      %run_scoped3A = tpu.sem_alloc : memref<!tpu.dma_semaphore, #tpu.memory_space<semaphore_mem>>
      %dma_start3A = arith.constant 0 : i32
      %dma_start3A_19 = tpu.memref_slice %arg10[%add3A_16, %dma_start3A] : memref<10240x128xf32, #tpu.memory_space<vmem_shared>> -> memref<128x128xf32, #tpu.memory_space<vmem_shared>>
      %dma_start3A_20 = arith.constant 0 : i32
      %dma_start3A_21 = tpu.memref_slice %arg10[%add3A_16, %dma_start3A_20] : memref<10240x128xf32, #tpu.memory_space<vmem_shared>> -> memref<128x128xf32, #tpu.memory_space<vmem_shared>>
      tpu.enqueue_dma source(%dma_start3A_21 : memref<128x128xf32, #tpu.memory_space<vmem_shared>>) target(%arg9 : memref<128x128xf32, #tpu.memory_space<vmem>>) target_semaphore(%run_scoped3A : memref<!tpu.dma_semaphore, #tpu.memory_space<semaphore_mem>>)
      %dma_wait3A = arith.constant 0 : i32
      %dma_wait3A_22 = tpu.memref_slice %arg10[%add3A_16, %dma_wait3A] : memref<10240x128xf32, #tpu.memory_space<vmem_shared>> -> memref<128x128xf32, #tpu.memory_space<vmem_shared>>
      %dma_wait3A_23 = arith.constant 0 : i32
      %dma_wait3A_24 = tpu.memref_slice %arg10[%add3A_16, %dma_wait3A_23] : memref<10240x128xf32, #tpu.memory_space<vmem_shared>> -> memref<128x128xf32, #tpu.memory_space<vmem_shared>>
      tpu.wait_dma2 semaphore(%run_scoped3A : memref<!tpu.dma_semaphore, #tpu.memory_space<semaphore_mem>>) src(%dma_wait3A_24 : memref<128x128xf32, #tpu.memory_space<vmem_shared>>) dst(%arg9 : memref<128x128xf32, #tpu.memory_space<vmem>>)
      tpu.yield
    }) : () -> ()
    "tpu.region"() ({
      %run_scoped3A = tpu.sem_alloc : memref<!tpu.dma_semaphore, #tpu.memory_space<semaphore_mem>>
      %dma_start3A = arith.constant 0 : i32
      %dma_start3A_19 = tpu.memref_slice %arg6[%arg0, %add3A_16, %dma_start3A] : memref<2x10240x128xf32, #tpu.memory_space<hbm>> -> memref<1x128x128xf32, #tpu.memory_space<hbm>>
      %dma_start3A_20 = tpu.memref_squeeze %dma_start3A_19 : memref<1x128x128xf32, #tpu.memory_space<hbm>> -> memref<128x128xf32, #tpu.memory_space<hbm>>
      %dma_start3A_21 = arith.constant 0 : i32
      %dma_start3A_22 = tpu.memref_slice %arg6[%arg0, %add3A_16, %dma_start3A_21] : memref<2x10240x128xf32, #tpu.memory_space<hbm>> -> memref<1x128x128xf32, #tpu.memory_space<hbm>>
      %dma_start3A_23 = tpu.memref_squeeze %dma_start3A_22 : memref<1x128x128xf32, #tpu.memory_space<hbm>> -> memref<128x128xf32, #tpu.memory_space<hbm>>
      tpu.enqueue_dma source(%arg9 : memref<128x128xf32, #tpu.memory_space<vmem>>) target(%dma_start3A_23 : memref<128x128xf32, #tpu.memory_space<hbm>>) target_semaphore(%run_scoped3A : memref<!tpu.dma_semaphore, #tpu.memory_space<semaphore_mem>>)
      %dma_wait3A = arith.constant 0 : i32
      %dma_wait3A_24 = tpu.memref_slice %arg6[%arg0, %add3A_16, %dma_wait3A] : memref<2x10240x128xf32, #tpu.memory_space<hbm>> -> memref<1x128x128xf32, #tpu.memory_space<hbm>>
      %dma_wait3A_25 = tpu.memref_squeeze %dma_wait3A_24 : memref<1x128x128xf32, #tpu.memory_space<hbm>> -> memref<128x128xf32, #tpu.memory_space<hbm>>
      %dma_wait3A_26 = arith.constant 0 : i32
      %dma_wait3A_27 = tpu.memref_slice %arg6[%arg0, %add3A_16, %dma_wait3A_26] : memref<2x10240x128xf32, #tpu.memory_space<hbm>> -> memref<1x128x128xf32, #tpu.memory_space<hbm>>
      %dma_wait3A_28 = tpu.memref_squeeze %dma_wait3A_27 : memref<1x128x128xf32, #tpu.memory_space<hbm>> -> memref<128x128xf32, #tpu.memory_space<hbm>>
      tpu.wait_dma2 semaphore(%run_scoped3A : memref<!tpu.dma_semaphore, #tpu.memory_space<semaphore_mem>>) src(%arg9 : memref<128x128xf32, #tpu.memory_space<vmem>>) dst(%dma_wait3A_28 : memref<128x128xf32, #tpu.memory_space<hbm>>)
      tpu.yield
    }) : () -> ()
    %add3A_17 = arith.constant 512 : i32
    %add3A_18 = arith.addi %mul3A_2, %add3A_17 : i32
    "tpu.region"() ({
      %run_scoped3A = tpu.sem_alloc : memref<!tpu.dma_semaphore, #tpu.memory_space<semaphore_mem>>
      %dma_start3A = arith.constant 0 : i32
      %dma_start3A_19 = tpu.memref_slice %arg10[%add3A_18, %dma_start3A] : memref<10240x128xf32, #tpu.memory_space<vmem_shared>> -> memref<128x128xf32, #tpu.memory_space<vmem_shared>>
      %dma_start3A_20 = arith.constant 0 : i32
      %dma_start3A_21 = tpu.memref_slice %arg10[%add3A_18, %dma_start3A_20] : memref<10240x128xf32, #tpu.memory_space<vmem_shared>> -> memref<128x128xf32, #tpu.memory_space<vmem_shared>>
      tpu.enqueue_dma source(%dma_start3A_21 : memref<128x128xf32, #tpu.memory_space<vmem_shared>>) target(%arg9 : memref<128x128xf32, #tpu.memory_space<vmem>>) target_semaphore(%run_scoped3A : memref<!tpu.dma_semaphore, #tpu.memory_space<semaphore_mem>>)
      %dma_wait3A = arith.constant 0 : i32
      %dma_wait3A_22 = tpu.memref_slice %arg10[%add3A_18, %dma_wait3A] : memref<10240x128xf32, #tpu.memory_space<vmem_shared>> -> memref<128x128xf32, #tpu.memory_space<vmem_shared>>
      %dma_wait3A_23 = arith.constant 0 : i32
      %dma_wait3A_24 = tpu.memref_slice %arg10[%add3A_18, %dma_wait3A_23] : memref<10240x128xf32, #tpu.memory_space<vmem_shared>> -> memref<128x128xf32, #tpu.memory_space<vmem_shared>>
      tpu.wait_dma2 semaphore(%run_scoped3A : memref<!tpu.dma_semaphore, #tpu.memory_space<semaphore_mem>>) src(%dma_wait3A_24 : memref<128x128xf32, #tpu.memory_space<vmem_shared>>) dst(%arg9 : memref<128x128xf32, #tpu.memory_space<vmem>>)
      tpu.yield
    }) : () -> ()
    "tpu.region"() ({
      %run_scoped3A = tpu.sem_alloc : memref<!tpu.dma_semaphore, #tpu.memory_space<semaphore_mem>>
      %dma_start3A = arith.constant 0 : i32
      %dma_start3A_19 = tpu.memref_slice %arg6[%arg0, %add3A_18, %dma_start3A] : memref<2x10240x128xf32, #tpu.memory_space<hbm>> -> memref<1x128x128xf32, #tpu.memory_space<hbm>>
      %dma_start3A_20 = tpu.memref_squeeze %dma_start3A_19 : memref<1x128x128xf32, #tpu.memory_space<hbm>> -> memref<128x128xf32, #tpu.memory_space<hbm>>
      %dma_start3A_21 = arith.constant 0 : i32
      %dma_start3A_22 = tpu.memref_slice %arg6[%arg0, %add3A_18, %dma_start3A_21] : memref<2x10240x128xf32, #tpu.memory_space<hbm>> -> memref<1x128x128xf32, #tpu.memory_space<hbm>>
      %dma_start3A_23 = tpu.memref_squeeze %dma_start3A_22 : memref<1x128x128xf32, #tpu.memory_space<hbm>> -> memref<128x128xf32, #tpu.memory_space<hbm>>
      tpu.enqueue_dma source(%arg9 : memref<128x128xf32, #tpu.memory_space<vmem>>) target(%dma_start3A_23 : memref<128x128xf32, #tpu.memory_space<hbm>>) target_semaphore(%run_scoped3A : memref<!tpu.dma_semaphore, #tpu.memory_space<semaphore_mem>>)
      %dma_wait3A = arith.constant 0 : i32
      %dma_wait3A_24 = tpu.memref_slice %arg6[%arg0, %add3A_18, %dma_wait3A] : memref<2x10240x128xf32, #tpu.memory_space<hbm>> -> memref<1x128x128xf32, #tpu.memory_space<hbm>>
      %dma_wait3A_25 = tpu.memref_squeeze %dma_wait3A_24 : memref<1x128x128xf32, #tpu.memory_space<hbm>> -> memref<128x128xf32, #tpu.memory_space<hbm>>
      %dma_wait3A_26 = arith.constant 0 : i32
      %dma_wait3A_27 = tpu.memref_slice %arg6[%arg0, %add3A_18, %dma_wait3A_26] : memref<2x10240x128xf32, #tpu.memory_space<hbm>> -> memref<1x128x128xf32, #tpu.memory_space<hbm>>
      %dma_wait3A_28 = tpu.memref_squeeze %dma_wait3A_27 : memref<1x128x128xf32, #tpu.memory_space<hbm>> -> memref<128x128xf32, #tpu.memory_space<hbm>>
      tpu.wait_dma2 semaphore(%run_scoped3A : memref<!tpu.dma_semaphore, #tpu.memory_space<semaphore_mem>>) src(%arg9 : memref<128x128xf32, #tpu.memory_space<vmem>>) dst(%dma_wait3A_28 : memref<128x128xf32, #tpu.memory_space<hbm>>)
      tpu.yield
    }) : () -> ()
    return
  }
}

#map = affine_map<(d0, d1) -> (0, 0)>
#map1 = affine_map<(d0, d1) -> (0, 0, 0)>
module attributes {stable_mosaic.version = 14 : i64} {
  func.func @seg_sum(%arg0: i32, %arg1: i32, %arg2: memref<10000x128xf32, #tpu.memory_space<hbm>>, %arg3: memref<32x79x128xi32, #tpu.memory_space<hbm>>, %arg4: memref<32x79x128xi32, #tpu.memory_space<hbm>>, %arg5: memref<10240x128xf32, #tpu.memory_space<hbm>>, %arg6: memref<2x10240x128xf32, #tpu.memory_space<hbm>>, %arg7: memref<79x128xi32, #tpu.memory_space<vmem>>, %arg8: memref<79x128xi32, #tpu.memory_space<vmem>>, %arg9: memref<128x128xf32, #tpu.memory_space<vmem>>, %arg10: memref<10240x128xf32, #tpu.memory_space<vmem_shared>>, %arg11: memref<!tpu.dma_semaphore, #tpu.memory_space<semaphore_mem>>) attributes {dimension_semantics = [#tpu.dimension_semantics<core_parallel>, #tpu.dimension_semantics<subcore_parallel>], iteration_bounds = array<i64: 2, 16>, scalar_prefetch = 0 : i64, scratch_operands = 5 : i64, tpu.core_type = #tpu.core_type<sc_vector_subcore>, window_params = [{transform_indices = #map}, {transform_indices = #map1}, {transform_indices = #map1}, {transform_indices = #map}, {transform_indices = #map1}]} {
    %mul3A = arith.constant 16 : i32
    %mul3A_0 = arith.muli %arg0, %mul3A : i32
    %add3A = arith.addi %mul3A_0, %arg1 : i32
    %mul3A_1 = arith.constant 640 : i32
    %mul3A_2 = arith.muli %arg1, %mul3A_1 : i32
    "tpu.region"() ({
      %run_scoped3A = tpu.sem_alloc : memref<!tpu.dma_semaphore, #tpu.memory_space<semaphore_mem>>
      %dma_start3A = arith.constant 0 : i32
      %dma_start3A_19 = tpu.memref_slice %arg10[%mul3A_2, %dma_start3A] : memref<10240x128xf32, #tpu.memory_space<vmem_shared>> -> memref<640x128xf32, #tpu.memory_space<vmem_shared>>
      %dma_start3A_20 = arith.constant 0 : i32
      %dma_start3A_21 = tpu.memref_slice %arg5[%mul3A_2, %dma_start3A_20] : memref<10240x128xf32, #tpu.memory_space<hbm>> -> memref<640x128xf32, #tpu.memory_space<hbm>>
      tpu.enqueue_dma source(%dma_start3A_21 : memref<640x128xf32, #tpu.memory_space<hbm>>) target(%dma_start3A_19 : memref<640x128xf32, #tpu.memory_space<vmem_shared>>) target_semaphore(%run_scoped3A : memref<!tpu.dma_semaphore, #tpu.memory_space<semaphore_mem>>)
      %dma_wait3A = arith.constant 0 : i32
      %dma_wait3A_22 = tpu.memref_slice %arg10[%mul3A_2, %dma_wait3A] : memref<10240x128xf32, #tpu.memory_space<vmem_shared>> -> memref<640x128xf32, #tpu.memory_space<vmem_shared>>
      %dma_wait3A_23 = arith.constant 0 : i32
      %dma_wait3A_24 = tpu.memref_slice %arg5[%mul3A_2, %dma_wait3A_23] : memref<10240x128xf32, #tpu.memory_space<hbm>> -> memref<640x128xf32, #tpu.memory_space<hbm>>
      tpu.wait_dma2 semaphore(%run_scoped3A : memref<!tpu.dma_semaphore, #tpu.memory_space<semaphore_mem>>) src(%dma_wait3A_24 : memref<640x128xf32, #tpu.memory_space<hbm>>) dst(%dma_wait3A_22 : memref<640x128xf32, #tpu.memory_space<vmem_shared>>)
      tpu.yield
    }) : () -> ()
    "tpu.region"() ({
      %run_scoped3A = tpu.sem_alloc : memref<!tpu.dma_semaphore, #tpu.memory_space<semaphore_mem>>
      %dma_start3A = arith.constant 0 : i32
      %dma_start3A_19 = arith.constant 0 : i32
      %dma_start3A_20 = tpu.memref_slice %arg3[%add3A, %dma_start3A, %dma_start3A_19] : memref<32x79x128xi32, #tpu.memory_space<hbm>> -> memref<1x79x128xi32, #tpu.memory_space<hbm>>
      %dma_start3A_21 = tpu.memref_squeeze %dma_start3A_20 : memref<1x79x128xi32, #tpu.memory_space<hbm>> -> memref<79x128xi32, #tpu.memory_space<hbm>>
      %dma_start3A_22 = arith.constant 0 : i32
      %dma_start3A_23 = arith.constant 0 : i32
      %dma_start3A_24 = tpu.memref_slice %arg3[%add3A, %dma_start3A_22, %dma_start3A_23] : memref<32x79x128xi32, #tpu.memory_space<hbm>> -> memref<1x79x128xi32, #tpu.memory_space<hbm>>
      %dma_start3A_25 = tpu.memref_squeeze %dma_start3A_24 : memref<1x79x128xi32, #tpu.memory_space<hbm>> -> memref<79x128xi32, #tpu.memory_space<hbm>>
      tpu.enqueue_dma source(%dma_start3A_25 : memref<79x128xi32, #tpu.memory_space<hbm>>) target(%arg7 : memref<79x128xi32, #tpu.memory_space<vmem>>) target_semaphore(%run_scoped3A : memref<!tpu.dma_semaphore, #tpu.memory_space<semaphore_mem>>)
      %dma_wait3A = arith.constant 0 : i32
      %dma_wait3A_26 = arith.constant 0 : i32
      %dma_wait3A_27 = tpu.memref_slice %arg3[%add3A, %dma_wait3A, %dma_wait3A_26] : memref<32x79x128xi32, #tpu.memory_space<hbm>> -> memref<1x79x128xi32, #tpu.memory_space<hbm>>
      %dma_wait3A_28 = tpu.memref_squeeze %dma_wait3A_27 : memref<1x79x128xi32, #tpu.memory_space<hbm>> -> memref<79x128xi32, #tpu.memory_space<hbm>>
      %dma_wait3A_29 = arith.constant 0 : i32
      %dma_wait3A_30 = arith.constant 0 : i32
      %dma_wait3A_31 = tpu.memref_slice %arg3[%add3A, %dma_wait3A_29, %dma_wait3A_30] : memref<32x79x128xi32, #tpu.memory_space<hbm>> -> memref<1x79x128xi32, #tpu.memory_space<hbm>>
      %dma_wait3A_32 = tpu.memref_squeeze %dma_wait3A_31 : memref<1x79x128xi32, #tpu.memory_space<hbm>> -> memref<79x128xi32, #tpu.memory_space<hbm>>
      tpu.wait_dma2 semaphore(%run_scoped3A : memref<!tpu.dma_semaphore, #tpu.memory_space<semaphore_mem>>) src(%dma_wait3A_32 : memref<79x128xi32, #tpu.memory_space<hbm>>) dst(%arg7 : memref<79x128xi32, #tpu.memory_space<vmem>>)
      tpu.yield
    }) : () -> ()
    "tpu.region"() ({
      %run_scoped3A = tpu.sem_alloc : memref<!tpu.dma_semaphore, #tpu.memory_space<semaphore_mem>>
      %dma_start3A = arith.constant 0 : i32
      %dma_start3A_19 = arith.constant 0 : i32
      %dma_start3A_20 = tpu.memref_slice %arg4[%add3A, %dma_start3A, %dma_start3A_19] : memref<32x79x128xi32, #tpu.memory_space<hbm>> -> memref<1x79x128xi32, #tpu.memory_space<hbm>>
      %dma_start3A_21 = tpu.memref_squeeze %dma_start3A_20 : memref<1x79x128xi32, #tpu.memory_space<hbm>> -> memref<79x128xi32, #tpu.memory_space<hbm>>
      %dma_start3A_22 = arith.constant 0 : i32
      %dma_start3A_23 = arith.constant 0 : i32
      %dma_start3A_24 = tpu.memref_slice %arg4[%add3A, %dma_start3A_22, %dma_start3A_23] : memref<32x79x128xi32, #tpu.memory_space<hbm>> -> memref<1x79x128xi32, #tpu.memory_space<hbm>>
      %dma_start3A_25 = tpu.memref_squeeze %dma_start3A_24 : memref<1x79x128xi32, #tpu.memory_space<hbm>> -> memref<79x128xi32, #tpu.memory_space<hbm>>
      tpu.enqueue_dma source(%dma_start3A_25 : memref<79x128xi32, #tpu.memory_space<hbm>>) target(%arg8 : memref<79x128xi32, #tpu.memory_space<vmem>>) target_semaphore(%run_scoped3A : memref<!tpu.dma_semaphore, #tpu.memory_space<semaphore_mem>>)
      %dma_wait3A = arith.constant 0 : i32
      %dma_wait3A_26 = arith.constant 0 : i32
      %dma_wait3A_27 = tpu.memref_slice %arg4[%add3A, %dma_wait3A, %dma_wait3A_26] : memref<32x79x128xi32, #tpu.memory_space<hbm>> -> memref<1x79x128xi32, #tpu.memory_space<hbm>>
      %dma_wait3A_28 = tpu.memref_squeeze %dma_wait3A_27 : memref<1x79x128xi32, #tpu.memory_space<hbm>> -> memref<79x128xi32, #tpu.memory_space<hbm>>
      %dma_wait3A_29 = arith.constant 0 : i32
      %dma_wait3A_30 = arith.constant 0 : i32
      %dma_wait3A_31 = tpu.memref_slice %arg4[%add3A, %dma_wait3A_29, %dma_wait3A_30] : memref<32x79x128xi32, #tpu.memory_space<hbm>> -> memref<1x79x128xi32, #tpu.memory_space<hbm>>
      %dma_wait3A_32 = tpu.memref_squeeze %dma_wait3A_31 : memref<1x79x128xi32, #tpu.memory_space<hbm>> -> memref<79x128xi32, #tpu.memory_space<hbm>>
      tpu.wait_dma2 semaphore(%run_scoped3A : memref<!tpu.dma_semaphore, #tpu.memory_space<semaphore_mem>>) src(%dma_wait3A_32 : memref<79x128xi32, #tpu.memory_space<hbm>>) dst(%arg8 : memref<79x128xi32, #tpu.memory_space<vmem>>)
      tpu.yield
    }) : () -> ()
    %barrier3A = arith.constant 0 : index
    tpu.barrier barrier_id(%barrier3A)
    %scan3A = arith.constant 0 : i32
    %scan3A_3 = arith.constant 0 : i32
    %scan3A_4 = arith.constant 79 : i32
    %scan3A_5 = arith.addi %scan3A_3, %scan3A_4 : i32
    %scan3A_6 = arith.constant 1 : i32
    scf.for %scan3A_19 = %scan3A_3 to %scan3A_5 step %scan3A_6  : i32 {
      %dma_start3A = arith.constant 0 : i32
      %dma_start3A_20 = tpu.memref_slice %arg7[%scan3A_19, %dma_start3A] : memref<79x128xi32, #tpu.memory_space<vmem>> -> memref<1x128xi32, #tpu.memory_space<vmem>>
      %dma_start3A_21 = tpu.memref_squeeze %dma_start3A_20 : memref<1x128xi32, #tpu.memory_space<vmem>> -> memref<128xi32, #tpu.memory_space<vmem>>
      %dma_start3A_22 = arith.constant 0 : i32
      %dma_start3A_23 = arith.constant 0 : i32
      %dma_start3A_24 = tpu.memref_slice %arg2[%dma_start3A_22, %dma_start3A_23] : memref<10000x128xf32, #tpu.memory_space<hbm>> -> memref<10000x128xf32, #tpu.memory_space<hbm>>
      tpu.enqueue_indirect_dma source(%dma_start3A_24 : memref<10000x128xf32, #tpu.memory_space<hbm>>) target(%arg9 : memref<128x128xf32, #tpu.memory_space<vmem>>) offsets(%dma_start3A_21 : memref<128xi32, #tpu.memory_space<vmem>>) semaphore(%arg11 : memref<!tpu.dma_semaphore, #tpu.memory_space<semaphore_mem>>)
      %dma_wait3A = arith.constant 0 : i32
      %dma_wait3A_25 = tpu.memref_slice %arg7[%scan3A_19, %dma_wait3A] : memref<79x128xi32, #tpu.memory_space<vmem>> -> memref<1x128xi32, #tpu.memory_space<vmem>>
      %dma_wait3A_26 = tpu.memref_squeeze %dma_wait3A_25 : memref<1x128xi32, #tpu.memory_space<vmem>> -> memref<128xi32, #tpu.memory_space<vmem>>
      %dma_wait3A_27 = arith.constant 0 : i32
      %dma_wait3A_28 = arith.constant 0 : i32
      %dma_wait3A_29 = tpu.memref_slice %arg2[%dma_wait3A_27, %dma_wait3A_28] : memref<10000x128xf32, #tpu.memory_space<hbm>> -> memref<10000x128xf32, #tpu.memory_space<hbm>>
      tpu.wait_indirect_dma semaphore(%arg11 : memref<!tpu.dma_semaphore, #tpu.memory_space<semaphore_mem>>) src(%dma_wait3A_29 : memref<10000x128xf32, #tpu.memory_space<hbm>>) dst(%arg9 : memref<128x128xf32, #tpu.memory_space<vmem>>)
      "tpu.region"() ({
        %run_scoped3A = tpu.sem_alloc : memref<!tpu.dma_semaphore, #tpu.memory_space<semaphore_mem>>
        %dma_start3A_30 = arith.constant 0 : i32
        %dma_start3A_31 = tpu.memref_slice %arg8[%scan3A_19, %dma_start3A_30] : memref<79x128xi32, #tpu.memory_space<vmem>> -> memref<1x128xi32, #tpu.memory_space<vmem>>
        %dma_start3A_32 = tpu.memref_squeeze %dma_start3A_31 : memref<1x128xi32, #tpu.memory_space<vmem>> -> memref<128xi32, #tpu.memory_space<vmem>>
        %dma_start3A_33 = arith.constant 0 : i32
        %dma_start3A_34 = arith.constant 0 : i32
        %dma_start3A_35 = tpu.memref_slice %arg10[%dma_start3A_33, %dma_start3A_34] : memref<10240x128xf32, #tpu.memory_space<vmem_shared>> -> memref<10240x128xf32, #tpu.memory_space<vmem_shared>>
        tpu.enqueue_indirect_dma source(%arg9 : memref<128x128xf32, #tpu.memory_space<vmem>>) target(%dma_start3A_35 : memref<10240x128xf32, #tpu.memory_space<vmem_shared>>) offsets(%dma_start3A_32 : memref<128xi32, #tpu.memory_space<vmem>>) semaphore(%run_scoped3A : memref<!tpu.dma_semaphore, #tpu.memory_space<semaphore_mem>>) {add = true}
        %dma_wait3A_36 = arith.constant 0 : i32
        %dma_wait3A_37 = tpu.memref_slice %arg8[%scan3A_19, %dma_wait3A_36] : memref<79x128xi32, #tpu.memory_space<vmem>> -> memref<1x128xi32, #tpu.memory_space<vmem>>
        %dma_wait3A_38 = tpu.memref_squeeze %dma_wait3A_37 : memref<1x128xi32, #tpu.memory_space<vmem>> -> memref<128xi32, #tpu.memory_space<vmem>>
        %dma_wait3A_39 = arith.constant 0 : i32
        %dma_wait3A_40 = arith.constant 0 : i32
        %dma_wait3A_41 = tpu.memref_slice %arg10[%dma_wait3A_39, %dma_wait3A_40] : memref<10240x128xf32, #tpu.memory_space<vmem_shared>> -> memref<10240x128xf32, #tpu.memory_space<vmem_shared>>
        tpu.wait_indirect_dma semaphore(%run_scoped3A : memref<!tpu.dma_semaphore, #tpu.memory_space<semaphore_mem>>) src(%arg9 : memref<128x128xf32, #tpu.memory_space<vmem>>) dst(%dma_wait3A_41 : memref<10240x128xf32, #tpu.memory_space<vmem_shared>>)
        tpu.yield
      }) : () -> ()
    }
    %scan3A_7 = arith.constant 79 : i32
    %barrier3A_8 = arith.constant 0 : index
    tpu.barrier barrier_id(%barrier3A_8)
    %add3A_9 = arith.constant 0 : i32
    %add3A_10 = arith.addi %mul3A_2, %add3A_9 : i32
    "tpu.region"() ({
      %run_scoped3A = tpu.sem_alloc : memref<!tpu.dma_semaphore, #tpu.memory_space<semaphore_mem>>
      %dma_start3A = arith.constant 0 : i32
      %dma_start3A_19 = tpu.memref_slice %arg10[%add3A_10, %dma_start3A] : memref<10240x128xf32, #tpu.memory_space<vmem_shared>> -> memref<128x128xf32, #tpu.memory_space<vmem_shared>>
      %dma_start3A_20 = arith.constant 0 : i32
      %dma_start3A_21 = tpu.memref_slice %arg10[%add3A_10, %dma_start3A_20] : memref<10240x128xf32, #tpu.memory_space<vmem_shared>> -> memref<128x128xf32, #tpu.memory_space<vmem_shared>>
      tpu.enqueue_dma source(%dma_start3A_21 : memref<128x128xf32, #tpu.memory_space<vmem_shared>>) target(%arg9 : memref<128x128xf32, #tpu.memory_space<vmem>>) target_semaphore(%run_scoped3A : memref<!tpu.dma_semaphore, #tpu.memory_space<semaphore_mem>>)
      %dma_wait3A = arith.constant 0 : i32
      %dma_wait3A_22 = tpu.memref_slice %arg10[%add3A_10, %dma_wait3A] : memref<10240x128xf32, #tpu.memory_space<vmem_shared>> -> memref<128x128xf32, #tpu.memory_space<vmem_shared>>
      %dma_wait3A_23 = arith.constant 0 : i32
      %dma_wait3A_24 = tpu.memref_slice %arg10[%add3A_10, %dma_wait3A_23] : memref<10240x128xf32, #tpu.memory_space<vmem_shared>> -> memref<128x128xf32, #tpu.memory_space<vmem_shared>>
      tpu.wait_dma2 semaphore(%run_scoped3A : memref<!tpu.dma_semaphore, #tpu.memory_space<semaphore_mem>>) src(%dma_wait3A_24 : memref<128x128xf32, #tpu.memory_space<vmem_shared>>) dst(%arg9 : memref<128x128xf32, #tpu.memory_space<vmem>>)
      tpu.yield
    }) : () -> ()
    "tpu.region"() ({
      %run_scoped3A = tpu.sem_alloc : memref<!tpu.dma_semaphore, #tpu.memory_space<semaphore_mem>>
      %dma_start3A = arith.constant 0 : i32
      %dma_start3A_19 = tpu.memref_slice %arg6[%arg0, %add3A_10, %dma_start3A] : memref<2x10240x128xf32, #tpu.memory_space<hbm>> -> memref<1x128x128xf32, #tpu.memory_space<hbm>>
      %dma_start3A_20 = tpu.memref_squeeze %dma_start3A_19 : memref<1x128x128xf32, #tpu.memory_space<hbm>> -> memref<128x128xf32, #tpu.memory_space<hbm>>
      %dma_start3A_21 = arith.constant 0 : i32
      %dma_start3A_22 = tpu.memref_slice %arg6[%arg0, %add3A_10, %dma_start3A_21] : memref<2x10240x128xf32, #tpu.memory_space<hbm>> -> memref<1x128x128xf32, #tpu.memory_space<hbm>>
      %dma_start3A_23 = tpu.memref_squeeze %dma_start3A_22 : memref<1x128x128xf32, #tpu.memory_space<hbm>> -> memref<128x128xf32, #tpu.memory_space<hbm>>
      tpu.enqueue_dma source(%arg9 : memref<128x128xf32, #tpu.memory_space<vmem>>) target(%dma_start3A_23 : memref<128x128xf32, #tpu.memory_space<hbm>>) target_semaphore(%run_scoped3A : memref<!tpu.dma_semaphore, #tpu.memory_space<semaphore_mem>>)
      %dma_wait3A = arith.constant 0 : i32
      %dma_wait3A_24 = tpu.memref_slice %arg6[%arg0, %add3A_10, %dma_wait3A] : memref<2x10240x128xf32, #tpu.memory_space<hbm>> -> memref<1x128x128xf32, #tpu.memory_space<hbm>>
      %dma_wait3A_25 = tpu.memref_squeeze %dma_wait3A_24 : memref<1x128x128xf32, #tpu.memory_space<hbm>> -> memref<128x128xf32, #tpu.memory_space<hbm>>
      %dma_wait3A_26 = arith.constant 0 : i32
      %dma_wait3A_27 = tpu.memref_slice %arg6[%arg0, %add3A_10, %dma_wait3A_26] : memref<2x10240x128xf32, #tpu.memory_space<hbm>> -> memref<1x128x128xf32, #tpu.memory_space<hbm>>
      %dma_wait3A_28 = tpu.memref_squeeze %dma_wait3A_27 : memref<1x128x128xf32, #tpu.memory_space<hbm>> -> memref<128x128xf32, #tpu.memory_space<hbm>>
      tpu.wait_dma2 semaphore(%run_scoped3A : memref<!tpu.dma_semaphore, #tpu.memory_space<semaphore_mem>>) src(%arg9 : memref<128x128xf32, #tpu.memory_space<vmem>>) dst(%dma_wait3A_28 : memref<128x128xf32, #tpu.memory_space<hbm>>)
      tpu.yield
    }) : () -> ()
    %add3A_11 = arith.constant 128 : i32
    %add3A_12 = arith.addi %mul3A_2, %add3A_11 : i32
    "tpu.region"() ({
      %run_scoped3A = tpu.sem_alloc : memref<!tpu.dma_semaphore, #tpu.memory_space<semaphore_mem>>
      %dma_start3A = arith.constant 0 : i32
      %dma_start3A_19 = tpu.memref_slice %arg10[%add3A_12, %dma_start3A] : memref<10240x128xf32, #tpu.memory_space<vmem_shared>> -> memref<128x128xf32, #tpu.memory_space<vmem_shared>>
      %dma_start3A_20 = arith.constant 0 : i32
      %dma_start3A_21 = tpu.memref_slice %arg10[%add3A_12, %dma_start3A_20] : memref<10240x128xf32, #tpu.memory_space<vmem_shared>> -> memref<128x128xf32, #tpu.memory_space<vmem_shared>>
      tpu.enqueue_dma source(%dma_start3A_21 : memref<128x128xf32, #tpu.memory_space<vmem_shared>>) target(%arg9 : memref<128x128xf32, #tpu.memory_space<vmem>>) target_semaphore(%run_scoped3A : memref<!tpu.dma_semaphore, #tpu.memory_space<semaphore_mem>>)
      %dma_wait3A = arith.constant 0 : i32
      %dma_wait3A_22 = tpu.memref_slice %arg10[%add3A_12, %dma_wait3A] : memref<10240x128xf32, #tpu.memory_space<vmem_shared>> -> memref<128x128xf32, #tpu.memory_space<vmem_shared>>
      %dma_wait3A_23 = arith.constant 0 : i32
      %dma_wait3A_24 = tpu.memref_slice %arg10[%add3A_12, %dma_wait3A_23] : memref<10240x128xf32, #tpu.memory_space<vmem_shared>> -> memref<128x128xf32, #tpu.memory_space<vmem_shared>>
      tpu.wait_dma2 semaphore(%run_scoped3A : memref<!tpu.dma_semaphore, #tpu.memory_space<semaphore_mem>>) src(%dma_wait3A_24 : memref<128x128xf32, #tpu.memory_space<vmem_shared>>) dst(%arg9 : memref<128x128xf32, #tpu.memory_space<vmem>>)
      tpu.yield
    }) : () -> ()
    "tpu.region"() ({
      %run_scoped3A = tpu.sem_alloc : memref<!tpu.dma_semaphore, #tpu.memory_space<semaphore_mem>>
      %dma_start3A = arith.constant 0 : i32
      %dma_start3A_19 = tpu.memref_slice %arg6[%arg0, %add3A_12, %dma_start3A] : memref<2x10240x128xf32, #tpu.memory_space<hbm>> -> memref<1x128x128xf32, #tpu.memory_space<hbm>>
      %dma_start3A_20 = tpu.memref_squeeze %dma_start3A_19 : memref<1x128x128xf32, #tpu.memory_space<hbm>> -> memref<128x128xf32, #tpu.memory_space<hbm>>
      %dma_start3A_21 = arith.constant 0 : i32
      %dma_start3A_22 = tpu.memref_slice %arg6[%arg0, %add3A_12, %dma_start3A_21] : memref<2x10240x128xf32, #tpu.memory_space<hbm>> -> memref<1x128x128xf32, #tpu.memory_space<hbm>>
      %dma_start3A_23 = tpu.memref_squeeze %dma_start3A_22 : memref<1x128x128xf32, #tpu.memory_space<hbm>> -> memref<128x128xf32, #tpu.memory_space<hbm>>
      tpu.enqueue_dma source(%arg9 : memref<128x128xf32, #tpu.memory_space<vmem>>) target(%dma_start3A_23 : memref<128x128xf32, #tpu.memory_space<hbm>>) target_semaphore(%run_scoped3A : memref<!tpu.dma_semaphore, #tpu.memory_space<semaphore_mem>>)
      %dma_wait3A = arith.constant 0 : i32
      %dma_wait3A_24 = tpu.memref_slice %arg6[%arg0, %add3A_12, %dma_wait3A] : memref<2x10240x128xf32, #tpu.memory_space<hbm>> -> memref<1x128x128xf32, #tpu.memory_space<hbm>>
      %dma_wait3A_25 = tpu.memref_squeeze %dma_wait3A_24 : memref<1x128x128xf32, #tpu.memory_space<hbm>> -> memref<128x128xf32, #tpu.memory_space<hbm>>
      %dma_wait3A_26 = arith.constant 0 : i32
      %dma_wait3A_27 = tpu.memref_slice %arg6[%arg0, %add3A_12, %dma_wait3A_26] : memref<2x10240x128xf32, #tpu.memory_space<hbm>> -> memref<1x128x128xf32, #tpu.memory_space<hbm>>
      %dma_wait3A_28 = tpu.memref_squeeze %dma_wait3A_27 : memref<1x128x128xf32, #tpu.memory_space<hbm>> -> memref<128x128xf32, #tpu.memory_space<hbm>>
      tpu.wait_dma2 semaphore(%run_scoped3A : memref<!tpu.dma_semaphore, #tpu.memory_space<semaphore_mem>>) src(%arg9 : memref<128x128xf32, #tpu.memory_space<vmem>>) dst(%dma_wait3A_28 : memref<128x128xf32, #tpu.memory_space<hbm>>)
      tpu.yield
    }) : () -> ()
    %add3A_13 = arith.constant 256 : i32
    %add3A_14 = arith.addi %mul3A_2, %add3A_13 : i32
    "tpu.region"() ({
      %run_scoped3A = tpu.sem_alloc : memref<!tpu.dma_semaphore, #tpu.memory_space<semaphore_mem>>
      %dma_start3A = arith.constant 0 : i32
      %dma_start3A_19 = tpu.memref_slice %arg10[%add3A_14, %dma_start3A] : memref<10240x128xf32, #tpu.memory_space<vmem_shared>> -> memref<128x128xf32, #tpu.memory_space<vmem_shared>>
      %dma_start3A_20 = arith.constant 0 : i32
      %dma_start3A_21 = tpu.memref_slice %arg10[%add3A_14, %dma_start3A_20] : memref<10240x128xf32, #tpu.memory_space<vmem_shared>> -> memref<128x128xf32, #tpu.memory_space<vmem_shared>>
      tpu.enqueue_dma source(%dma_start3A_21 : memref<128x128xf32, #tpu.memory_space<vmem_shared>>) target(%arg9 : memref<128x128xf32, #tpu.memory_space<vmem>>) target_semaphore(%run_scoped3A : memref<!tpu.dma_semaphore, #tpu.memory_space<semaphore_mem>>)
      %dma_wait3A = arith.constant 0 : i32
      %dma_wait3A_22 = tpu.memref_slice %arg10[%add3A_14, %dma_wait3A] : memref<10240x128xf32, #tpu.memory_space<vmem_shared>> -> memref<128x128xf32, #tpu.memory_space<vmem_shared>>
      %dma_wait3A_23 = arith.constant 0 : i32
      %dma_wait3A_24 = tpu.memref_slice %arg10[%add3A_14, %dma_wait3A_23] : memref<10240x128xf32, #tpu.memory_space<vmem_shared>> -> memref<128x128xf32, #tpu.memory_space<vmem_shared>>
      tpu.wait_dma2 semaphore(%run_scoped3A : memref<!tpu.dma_semaphore, #tpu.memory_space<semaphore_mem>>) src(%dma_wait3A_24 : memref<128x128xf32, #tpu.memory_space<vmem_shared>>) dst(%arg9 : memref<128x128xf32, #tpu.memory_space<vmem>>)
      tpu.yield
    }) : () -> ()
    "tpu.region"() ({
      %run_scoped3A = tpu.sem_alloc : memref<!tpu.dma_semaphore, #tpu.memory_space<semaphore_mem>>
      %dma_start3A = arith.constant 0 : i32
      %dma_start3A_19 = tpu.memref_slice %arg6[%arg0, %add3A_14, %dma_start3A] : memref<2x10240x128xf32, #tpu.memory_space<hbm>> -> memref<1x128x128xf32, #tpu.memory_space<hbm>>
      %dma_start3A_20 = tpu.memref_squeeze %dma_start3A_19 : memref<1x128x128xf32, #tpu.memory_space<hbm>> -> memref<128x128xf32, #tpu.memory_space<hbm>>
      %dma_start3A_21 = arith.constant 0 : i32
      %dma_start3A_22 = tpu.memref_slice %arg6[%arg0, %add3A_14, %dma_start3A_21] : memref<2x10240x128xf32, #tpu.memory_space<hbm>> -> memref<1x128x128xf32, #tpu.memory_space<hbm>>
      %dma_start3A_23 = tpu.memref_squeeze %dma_start3A_22 : memref<1x128x128xf32, #tpu.memory_space<hbm>> -> memref<128x128xf32, #tpu.memory_space<hbm>>
      tpu.enqueue_dma source(%arg9 : memref<128x128xf32, #tpu.memory_space<vmem>>) target(%dma_start3A_23 : memref<128x128xf32, #tpu.memory_space<hbm>>) target_semaphore(%run_scoped3A : memref<!tpu.dma_semaphore, #tpu.memory_space<semaphore_mem>>)
      %dma_wait3A = arith.constant 0 : i32
      %dma_wait3A_24 = tpu.memref_slice %arg6[%arg0, %add3A_14, %dma_wait3A] : memref<2x10240x128xf32, #tpu.memory_space<hbm>> -> memref<1x128x128xf32, #tpu.memory_space<hbm>>
      %dma_wait3A_25 = tpu.memref_squeeze %dma_wait3A_24 : memref<1x128x128xf32, #tpu.memory_space<hbm>> -> memref<128x128xf32, #tpu.memory_space<hbm>>
      %dma_wait3A_26 = arith.constant 0 : i32
      %dma_wait3A_27 = tpu.memref_slice %arg6[%arg0, %add3A_14, %dma_wait3A_26] : memref<2x10240x128xf32, #tpu.memory_space<hbm>> -> memref<1x128x128xf32, #tpu.memory_space<hbm>>
      %dma_wait3A_28 = tpu.memref_squeeze %dma_wait3A_27 : memref<1x128x128xf32, #tpu.memory_space<hbm>> -> memref<128x128xf32, #tpu.memory_space<hbm>>
      tpu.wait_dma2 semaphore(%run_scoped3A : memref<!tpu.dma_semaphore, #tpu.memory_space<semaphore_mem>>) src(%arg9 : memref<128x128xf32, #tpu.memory_space<vmem>>) dst(%dma_wait3A_28 : memref<128x128xf32, #tpu.memory_space<hbm>>)
      tpu.yield
    }) : () -> ()
    %add3A_15 = arith.constant 384 : i32
    %add3A_16 = arith.addi %mul3A_2, %add3A_15 : i32
    "tpu.region"() ({
      %run_scoped3A = tpu.sem_alloc : memref<!tpu.dma_semaphore, #tpu.memory_space<semaphore_mem>>
      %dma_start3A = arith.constant 0 : i32
      %dma_start3A_19 = tpu.memref_slice %arg10[%add3A_16, %dma_start3A] : memref<10240x128xf32, #tpu.memory_space<vmem_shared>> -> memref<128x128xf32, #tpu.memory_space<vmem_shared>>
      %dma_start3A_20 = arith.constant 0 : i32
      %dma_start3A_21 = tpu.memref_slice %arg10[%add3A_16, %dma_start3A_20] : memref<10240x128xf32, #tpu.memory_space<vmem_shared>> -> memref<128x128xf32, #tpu.memory_space<vmem_shared>>
      tpu.enqueue_dma source(%dma_start3A_21 : memref<128x128xf32, #tpu.memory_space<vmem_shared>>) target(%arg9 : memref<128x128xf32, #tpu.memory_space<vmem>>) target_semaphore(%run_scoped3A : memref<!tpu.dma_semaphore, #tpu.memory_space<semaphore_mem>>)
      %dma_wait3A = arith.constant 0 : i32
      %dma_wait3A_22 = tpu.memref_slice %arg10[%add3A_16, %dma_wait3A] : memref<10240x128xf32, #tpu.memory_space<vmem_shared>> -> memref<128x128xf32, #tpu.memory_space<vmem_shared>>
      %dma_wait3A_23 = arith.constant 0 : i32
      %dma_wait3A_24 = tpu.memref_slice %arg10[%add3A_16, %dma_wait3A_23] : memref<10240x128xf32, #tpu.memory_space<vmem_shared>> -> memref<128x128xf32, #tpu.memory_space<vmem_shared>>
      tpu.wait_dma2 semaphore(%run_scoped3A : memref<!tpu.dma_semaphore, #tpu.memory_space<semaphore_mem>>) src(%dma_wait3A_24 : memref<128x128xf32, #tpu.memory_space<vmem_shared>>) dst(%arg9 : memref<128x128xf32, #tpu.memory_space<vmem>>)
      tpu.yield
    }) : () -> ()
    "tpu.region"() ({
      %run_scoped3A = tpu.sem_alloc : memref<!tpu.dma_semaphore, #tpu.memory_space<semaphore_mem>>
      %dma_start3A = arith.constant 0 : i32
      %dma_start3A_19 = tpu.memref_slice %arg6[%arg0, %add3A_16, %dma_start3A] : memref<2x10240x128xf32, #tpu.memory_space<hbm>> -> memref<1x128x128xf32, #tpu.memory_space<hbm>>
      %dma_start3A_20 = tpu.memref_squeeze %dma_start3A_19 : memref<1x128x128xf32, #tpu.memory_space<hbm>> -> memref<128x128xf32, #tpu.memory_space<hbm>>
      %dma_start3A_21 = arith.constant 0 : i32
      %dma_start3A_22 = tpu.memref_slice %arg6[%arg0, %add3A_16, %dma_start3A_21] : memref<2x10240x128xf32, #tpu.memory_space<hbm>> -> memref<1x128x128xf32, #tpu.memory_space<hbm>>
      %dma_start3A_23 = tpu.memref_squeeze %dma_start3A_22 : memref<1x128x128xf32, #tpu.memory_space<hbm>> -> memref<128x128xf32, #tpu.memory_space<hbm>>
      tpu.enqueue_dma source(%arg9 : memref<128x128xf32, #tpu.memory_space<vmem>>) target(%dma_start3A_23 : memref<128x128xf32, #tpu.memory_space<hbm>>) target_semaphore(%run_scoped3A : memref<!tpu.dma_semaphore, #tpu.memory_space<semaphore_mem>>)
      %dma_wait3A = arith.constant 0 : i32
      %dma_wait3A_24 = tpu.memref_slice %arg6[%arg0, %add3A_16, %dma_wait3A] : memref<2x10240x128xf32, #tpu.memory_space<hbm>> -> memref<1x128x128xf32, #tpu.memory_space<hbm>>
      %dma_wait3A_25 = tpu.memref_squeeze %dma_wait3A_24 : memref<1x128x128xf32, #tpu.memory_space<hbm>> -> memref<128x128xf32, #tpu.memory_space<hbm>>
      %dma_wait3A_26 = arith.constant 0 : i32
      %dma_wait3A_27 = tpu.memref_slice %arg6[%arg0, %add3A_16, %dma_wait3A_26] : memref<2x10240x128xf32, #tpu.memory_space<hbm>> -> memref<1x128x128xf32, #tpu.memory_space<hbm>>
      %dma_wait3A_28 = tpu.memref_squeeze %dma_wait3A_27 : memref<1x128x128xf32, #tpu.memory_space<hbm>> -> memref<128x128xf32, #tpu.memory_space<hbm>>
      tpu.wait_dma2 semaphore(%run_scoped3A : memref<!tpu.dma_semaphore, #tpu.memory_space<semaphore_mem>>) src(%arg9 : memref<128x128xf32, #tpu.memory_space<vmem>>) dst(%dma_wait3A_28 : memref<128x128xf32, #tpu.memory_space<hbm>>)
      tpu.yield
    }) : () -> ()
    %add3A_17 = arith.constant 512 : i32
    %add3A_18 = arith.addi %mul3A_2, %add3A_17 : i32
    "tpu.region"() ({
      %run_scoped3A = tpu.sem_alloc : memref<!tpu.dma_semaphore, #tpu.memory_space<semaphore_mem>>
      %dma_start3A = arith.constant 0 : i32
      %dma_start3A_19 = tpu.memref_slice %arg10[%add3A_18, %dma_start3A] : memref<10240x128xf32, #tpu.memory_space<vmem_shared>> -> memref<128x128xf32, #tpu.memory_space<vmem_shared>>
      %dma_start3A_20 = arith.constant 0 : i32
      %dma_start3A_21 = tpu.memref_slice %arg10[%add3A_18, %dma_start3A_20] : memref<10240x128xf32, #tpu.memory_space<vmem_shared>> -> memref<128x128xf32, #tpu.memory_space<vmem_shared>>
      tpu.enqueue_dma source(%dma_start3A_21 : memref<128x128xf32, #tpu.memory_space<vmem_shared>>) target(%arg9 : memref<128x128xf32, #tpu.memory_space<vmem>>) target_semaphore(%run_scoped3A : memref<!tpu.dma_semaphore, #tpu.memory_space<semaphore_mem>>)
      %dma_wait3A = arith.constant 0 : i32
      %dma_wait3A_22 = tpu.memref_slice %arg10[%add3A_18, %dma_wait3A] : memref<10240x128xf32, #tpu.memory_space<vmem_shared>> -> memref<128x128xf32, #tpu.memory_space<vmem_shared>>
      %dma_wait3A_23 = arith.constant 0 : i32
      %dma_wait3A_24 = tpu.memref_slice %arg10[%add3A_18, %dma_wait3A_23] : memref<10240x128xf32, #tpu.memory_space<vmem_shared>> -> memref<128x128xf32, #tpu.memory_space<vmem_shared>>
      tpu.wait_dma2 semaphore(%run_scoped3A : memref<!tpu.dma_semaphore, #tpu.memory_space<semaphore_mem>>) src(%dma_wait3A_24 : memref<128x128xf32, #tpu.memory_space<vmem_shared>>) dst(%arg9 : memref<128x128xf32, #tpu.memory_space<vmem>>)
      tpu.yield
    }) : () -> ()
    "tpu.region"() ({
      %run_scoped3A = tpu.sem_alloc : memref<!tpu.dma_semaphore, #tpu.memory_space<semaphore_mem>>
      %dma_start3A = arith.constant 0 : i32
      %dma_start3A_19 = tpu.memref_slice %arg6[%arg0, %add3A_18, %dma_start3A] : memref<2x10240x128xf32, #tpu.memory_space<hbm>> -> memref<1x128x128xf32, #tpu.memory_space<hbm>>
      %dma_start3A_20 = tpu.memref_squeeze %dma_start3A_19 : memref<1x128x128xf32, #tpu.memory_space<hbm>> -> memref<128x128xf32, #tpu.memory_space<hbm>>
      %dma_start3A_21 = arith.constant 0 : i32
      %dma_start3A_22 = tpu.memref_slice %arg6[%arg0, %add3A_18, %dma_start3A_21] : memref<2x10240x128xf32, #tpu.memory_space<hbm>> -> memref<1x128x128xf32, #tpu.memory_space<hbm>>
      %dma_start3A_23 = tpu.memref_squeeze %dma_start3A_22 : memref<1x128x128xf32, #tpu.memory_space<hbm>> -> memref<128x128xf32, #tpu.memory_space<hbm>>
      tpu.enqueue_dma source(%arg9 : memref<128x128xf32, #tpu.memory_space<vmem>>) target(%dma_start3A_23 : memref<128x128xf32, #tpu.memory_space<hbm>>) target_semaphore(%run_scoped3A : memref<!tpu.dma_semaphore, #tpu.memory_space<semaphore_mem>>)
      %dma_wait3A = arith.constant 0 : i32
      %dma_wait3A_24 = tpu.memref_slice %arg6[%arg0, %add3A_18, %dma_wait3A] : memref<2x10240x128xf32, #tpu.memory_space<hbm>> -> memref<1x128x128xf32, #tpu.memory_space<hbm>>
      %dma_wait3A_25 = tpu.memref_squeeze %dma_wait3A_24 : memref<1x128x128xf32, #tpu.memory_space<hbm>> -> memref<128x128xf32, #tpu.memory_space<hbm>>
      %dma_wait3A_26 = arith.constant 0 : i32
      %dma_wait3A_27 = tpu.memref_slice %arg6[%arg0, %add3A_18, %dma_wait3A_26] : memref<2x10240x128xf32, #tpu.memory_space<hbm>> -> memref<1x128x128xf32, #tpu.memory_space<hbm>>
      %dma_wait3A_28 = tpu.memref_squeeze %dma_wait3A_27 : memref<1x128x128xf32, #tpu.memory_space<hbm>> -> memref<128x128xf32, #tpu.memory_space<hbm>>
      tpu.wait_dma2 semaphore(%run_scoped3A : memref<!tpu.dma_semaphore, #tpu.memory_space<semaphore_mem>>) src(%arg9 : memref<128x128xf32, #tpu.memory_space<vmem>>) dst(%dma_wait3A_28 : memref<128x128xf32, #tpu.memory_space<hbm>>)
      tpu.yield
    }) : () -> ()
    return
  }
}

module attributes {stable_mosaic.version = 14 : i64} {
  func.func @_mlp_body(%arg0: i32, %arg1: memref<1000x128xf32, #tpu.memory_space<vmem>>, %arg2: memref<1000x128xf32, #tpu.memory_space<vmem>>, %arg3: memref<1000x128xf32, #tpu.memory_space<vmem>>, %arg4: memref<128x128xf32, #tpu.memory_space<vmem>>, %arg5: memref<1x128xf32, #tpu.memory_space<vmem>>, %arg6: memref<128x128xf32, #tpu.memory_space<vmem>>, %arg7: memref<1x128xf32, #tpu.memory_space<vmem>>, %arg8: memref<1000x128xf32, #tpu.memory_space<vmem>>) attributes {dimension_semantics = [#tpu.dimension_semantics<arbitrary>], iteration_bounds = array<i64: 10>, scalar_prefetch = 0 : i64, scratch_operands = 0 : i64, tpu.core_type = #tpu.core_type<tc>, window_params = [{transform_indices = @transform_0, window_bounds = array<i64: 1000, 128>}, {transform_indices = @transform_1, window_bounds = array<i64: 1000, 128>}, {transform_indices = @transform_2, window_bounds = array<i64: 1000, 128>}, {pipeline_mode = #tpu.pipeline_mode<synchronous>, transform_indices = @transform_3, window_bounds = array<i64: 128, 128>}, {pipeline_mode = #tpu.pipeline_mode<synchronous>, transform_indices = @transform_4, window_bounds = array<i64: 1, 128>}, {pipeline_mode = #tpu.pipeline_mode<synchronous>, transform_indices = @transform_5, window_bounds = array<i64: 128, 128>}, {pipeline_mode = #tpu.pipeline_mode<synchronous>, transform_indices = @transform_6, window_bounds = array<i64: 1, 128>}, {transform_indices = @transform_7, window_bounds = array<i64: 1000, 128>}]} {
    %get3A = arith.constant 0 : index
    %get3A_0 = arith.constant 0 : index
    %get3A_1 = vector.load %arg1[%get3A, %get3A_0] : memref<1000x128xf32, #tpu.memory_space<vmem>>, vector<1000x128xf32>
    %get3A_2 = arith.constant 0 : index
    %get3A_3 = arith.constant 0 : index
    %get3A_4 = vector.load %arg2[%get3A_2, %get3A_3] : memref<1000x128xf32, #tpu.memory_space<vmem>>, vector<1000x128xf32>
    %get3A_5 = arith.constant 0 : index
    %get3A_6 = arith.constant 0 : index
    %get3A_7 = vector.load %arg3[%get3A_5, %get3A_6] : memref<1000x128xf32, #tpu.memory_space<vmem>>, vector<1000x128xf32>
    %add3A = arith.addf %get3A_4, %get3A_7 : vector<1000x128xf32>
    %add3A_8 = arith.addf %get3A_1, %add3A : vector<1000x128xf32>
    %get3A_9 = arith.constant 0 : index
    %get3A_10 = arith.constant 0 : index
    %get3A_11 = vector.load %arg4[%get3A_9, %get3A_10] : memref<128x128xf32, #tpu.memory_space<vmem>>, vector<128x128xf32>
    %dot_general3A = arith.constant dense<0.000000e+00> : vector<1000x128xf32>
    %dot_general3A_12 = tpu.matmul %add3A_8, %get3A_11, %dot_general3A {dimension_numbers = #tpu.dot_dimension_numbers<[1], [0], [0], [1], [0, 0, 1, 1], [], []>, transpose_lhs_hint = false} : vector<1000x128xf32>, vector<128x128xf32>, vector<1000x128xf32> -> vector<1000x128xf32>
    %get3A_13 = arith.constant 0 : index
    %get3A_14 = arith.constant 0 : index
    %get3A_15 = vector.load %arg5[%get3A_13, %get3A_14] : memref<1x128xf32, #tpu.memory_space<vmem>>, vector<1x128xf32>
    %add3A_16 = vector.broadcast %get3A_15 : vector<1x128xf32> to vector<1000x128xf32>
    %add3A_17 = arith.addf %dot_general3A_12, %add3A_16 : vector<1000x128xf32>
    %max3A = arith.constant 0.000000e+00 : f32
    %max3A_18 = vector.broadcast %max3A : f32 to vector<1000x128xf32>
    %max3A_19 = arith.maximumf %add3A_17, %max3A_18 : vector<1000x128xf32>
    %get3A_20 = arith.constant 0 : index
    %get3A_21 = arith.constant 0 : index
    %get3A_22 = vector.load %arg6[%get3A_20, %get3A_21] : memref<128x128xf32, #tpu.memory_space<vmem>>, vector<128x128xf32>
    %dot_general3A_23 = arith.constant dense<0.000000e+00> : vector<1000x128xf32>
    %dot_general3A_24 = tpu.matmul %max3A_19, %get3A_22, %dot_general3A_23 {dimension_numbers = #tpu.dot_dimension_numbers<[1], [0], [0], [1], [0, 0, 1, 1], [], []>, transpose_lhs_hint = false} : vector<1000x128xf32>, vector<128x128xf32>, vector<1000x128xf32> -> vector<1000x128xf32>
    %get3A_25 = arith.constant 0 : index
    %get3A_26 = arith.constant 0 : index
    %get3A_27 = vector.load %arg7[%get3A_25, %get3A_26] : memref<1x128xf32, #tpu.memory_space<vmem>>, vector<1x128xf32>
    %add3A_28 = vector.broadcast %get3A_27 : vector<1x128xf32> to vector<1000x128xf32>
    %add3A_29 = arith.addf %dot_general3A_24, %add3A_28 : vector<1000x128xf32>
    %max3A_30 = arith.constant 0.000000e+00 : f32
    %max3A_31 = vector.broadcast %max3A_30 : f32 to vector<1000x128xf32>
    %max3A_32 = arith.maximumf %add3A_29, %max3A_31 : vector<1000x128xf32>
    %swap3A = arith.constant 0 : index
    %swap3A_33 = arith.constant 0 : index
    %swap3A_34 = vector.load %arg8[%swap3A, %swap3A_33] : memref<1000x128xf32, #tpu.memory_space<vmem>>, vector<1000x128xf32>
    tpu.vector_store %arg8[%swap3A, %swap3A_33], %max3A_32 {strides = array<i32>} : memref<1000x128xf32, #tpu.memory_space<vmem>>, vector<1000x128xf32>,
    return
  }
  func.func @transform_0(%arg0: i32) -> (i32, i32) {
    %c0_i32 = arith.constant 0 : i32
    %c0_i32_0 = arith.constant 0 : i32
    return %arg0, %c0_i32 : i32, i32
  }
  func.func @transform_1(%arg0: i32) -> (i32, i32) {
    %c0_i32 = arith.constant 0 : i32
    %c0_i32_0 = arith.constant 0 : i32
    return %arg0, %c0_i32 : i32, i32
  }
  func.func @transform_2(%arg0: i32) -> (i32, i32) {
    %c0_i32 = arith.constant 0 : i32
    %c0_i32_0 = arith.constant 0 : i32
    return %arg0, %c0_i32 : i32, i32
  }
  func.func @transform_3(%arg0: i32) -> (i32, i32) {
    %c0_i32 = arith.constant 0 : i32
    %c0_i32_0 = arith.constant 0 : i32
    %c0_i32_1 = arith.constant 0 : i32
    return %c0_i32, %c0_i32_0 : i32, i32
  }
  func.func @transform_4(%arg0: i32) -> (i32, i32) {
    %c0_i32 = arith.constant 0 : i32
    %c0_i32_0 = arith.constant 0 : i32
    %c0_i32_1 = arith.constant 0 : i32
    return %c0_i32, %c0_i32_0 : i32, i32
  }
  func.func @transform_5(%arg0: i32) -> (i32, i32) {
    %c0_i32 = arith.constant 0 : i32
    %c0_i32_0 = arith.constant 0 : i32
    %c0_i32_1 = arith.constant 0 : i32
    return %c0_i32, %c0_i32_0 : i32, i32
  }
  func.func @transform_6(%arg0: i32) -> (i32, i32) {
    %c0_i32 = arith.constant 0 : i32
    %c0_i32_0 = arith.constant 0 : i32
    %c0_i32_1 = arith.constant 0 : i32
    return %c0_i32, %c0_i32_0 : i32, i32
  }
  func.func @transform_7(%arg0: i32) -> (i32, i32) {
    %c0_i32 = arith.constant 0 : i32
    %c0_i32_0 = arith.constant 0 : i32
    return %arg0, %c0_i32 : i32, i32
  }
}

module attributes {stable_mosaic.version = 14 : i64} {
  func.func @_head_body(%arg0: i32, %arg1: memref<1000x128xf32, #tpu.memory_space<vmem>>, %arg2: memref<1000x128xf32, #tpu.memory_space<vmem>>, %arg3: memref<1000x128xf32, #tpu.memory_space<vmem>>, %arg4: memref<1000x128xf32, #tpu.memory_space<vmem>>, %arg5: memref<1000x128xf32, #tpu.memory_space<vmem>>, %arg6: memref<128x128xf32, #tpu.memory_space<vmem>>, %arg7: memref<1x128xf32, #tpu.memory_space<vmem>>, %arg8: memref<128x128xf32, #tpu.memory_space<vmem>>, %arg9: memref<1x128xf32, #tpu.memory_space<vmem>>, %arg10: memref<1x128xf32, #tpu.memory_space<vmem>>, %arg11: memref<1x1xf32, #tpu.memory_space<vmem>>, %arg12: memref<1000x1xf32, #tpu.memory_space<vmem>>) attributes {dimension_semantics = [#tpu.dimension_semantics<arbitrary>], iteration_bounds = array<i64: 10>, scalar_prefetch = 0 : i64, scratch_operands = 0 : i64, tpu.core_type = #tpu.core_type<tc>, window_params = [{transform_indices = @transform_0, window_bounds = array<i64: 1000, 128>}, {transform_indices = @transform_1, window_bounds = array<i64: 1000, 128>}, {transform_indices = @transform_2, window_bounds = array<i64: 1000, 128>}, {transform_indices = @transform_3, window_bounds = array<i64: 1000, 128>}, {transform_indices = @transform_4, window_bounds = array<i64: 1000, 128>}, {pipeline_mode = #tpu.pipeline_mode<synchronous>, transform_indices = @transform_5, window_bounds = array<i64: 128, 128>}, {pipeline_mode = #tpu.pipeline_mode<synchronous>, transform_indices = @transform_6, window_bounds = array<i64: 1, 128>}, {pipeline_mode = #tpu.pipeline_mode<synchronous>, transform_indices = @transform_7, window_bounds = array<i64: 128, 128>}, {pipeline_mode = #tpu.pipeline_mode<synchronous>, transform_indices = @transform_8, window_bounds = array<i64: 1, 128>}, {pipeline_mode = #tpu.pipeline_mode<synchronous>, transform_indices = @transform_9, window_bounds = array<i64: 1, 128>}, {pipeline_mode = #tpu.pipeline_mode<synchronous>, transform_indices = @transform_10, window_bounds = array<i64: 1, 1>}, {transform_indices = @transform_11, window_bounds = array<i64: 1000, 1>}]} {
    %get3A = arith.constant 0 : index
    %get3A_0 = arith.constant 0 : index
    %get3A_1 = vector.load %arg1[%get3A, %get3A_0] : memref<1000x128xf32, #tpu.memory_space<vmem>>, vector<1000x128xf32>
    %get3A_2 = arith.constant 0 : index
    %get3A_3 = arith.constant 0 : index
    %get3A_4 = vector.load %arg2[%get3A_2, %get3A_3] : memref<1000x128xf32, #tpu.memory_space<vmem>>, vector<1000x128xf32>
    %get3A_5 = arith.constant 0 : index
    %get3A_6 = arith.constant 0 : index
    %get3A_7 = vector.load %arg3[%get3A_5, %get3A_6] : memref<1000x128xf32, #tpu.memory_space<vmem>>, vector<1000x128xf32>
    %add3A = arith.addf %get3A_4, %get3A_7 : vector<1000x128xf32>
    %add3A_8 = arith.addf %get3A_1, %add3A : vector<1000x128xf32>
    %get3A_9 = arith.constant 0 : index
    %get3A_10 = arith.constant 0 : index
    %get3A_11 = vector.load %arg6[%get3A_9, %get3A_10] : memref<128x128xf32, #tpu.memory_space<vmem>>, vector<128x128xf32>
    %dot_general3A = arith.constant dense<0.000000e+00> : vector<1000x128xf32>
    %dot_general3A_12 = tpu.matmul %add3A_8, %get3A_11, %dot_general3A {dimension_numbers = #tpu.dot_dimension_numbers<[1], [0], [0], [1], [0, 0, 1, 1], [], []>, transpose_lhs_hint = false} : vector<1000x128xf32>, vector<128x128xf32>, vector<1000x128xf32> -> vector<1000x128xf32>
    %get3A_13 = arith.constant 0 : index
    %get3A_14 = arith.constant 0 : index
    %get3A_15 = vector.load %arg7[%get3A_13, %get3A_14] : memref<1x128xf32, #tpu.memory_space<vmem>>, vector<1x128xf32>
    %add3A_16 = vector.broadcast %get3A_15 : vector<1x128xf32> to vector<1000x128xf32>
    %add3A_17 = arith.addf %dot_general3A_12, %add3A_16 : vector<1000x128xf32>
    %max3A = arith.constant 0.000000e+00 : f32
    %max3A_18 = vector.broadcast %max3A : f32 to vector<1000x128xf32>
    %max3A_19 = arith.maximumf %add3A_17, %max3A_18 : vector<1000x128xf32>
    %get3A_20 = arith.constant 0 : index
    %get3A_21 = arith.constant 0 : index
    %get3A_22 = vector.load %arg8[%get3A_20, %get3A_21] : memref<128x128xf32, #tpu.memory_space<vmem>>, vector<128x128xf32>
    %dot_general3A_23 = arith.constant dense<0.000000e+00> : vector<1000x128xf32>
    %dot_general3A_24 = tpu.matmul %max3A_19, %get3A_22, %dot_general3A_23 {dimension_numbers = #tpu.dot_dimension_numbers<[1], [0], [0], [1], [0, 0, 1, 1], [], []>, transpose_lhs_hint = false} : vector<1000x128xf32>, vector<128x128xf32>, vector<1000x128xf32> -> vector<1000x128xf32>
    %get3A_25 = arith.constant 0 : index
    %get3A_26 = arith.constant 0 : index
    %get3A_27 = vector.load %arg9[%get3A_25, %get3A_26] : memref<1x128xf32, #tpu.memory_space<vmem>>, vector<1x128xf32>
    %add3A_28 = vector.broadcast %get3A_27 : vector<1x128xf32> to vector<1000x128xf32>
    %add3A_29 = arith.addf %dot_general3A_24, %add3A_28 : vector<1000x128xf32>
    %max3A_30 = arith.constant 0.000000e+00 : f32
    %max3A_31 = vector.broadcast %max3A_30 : f32 to vector<1000x128xf32>
    %max3A_32 = arith.maximumf %add3A_29, %max3A_31 : vector<1000x128xf32>
    %get3A_33 = arith.constant 0 : index
    %get3A_34 = arith.constant 0 : index
    %get3A_35 = vector.load %arg4[%get3A_33, %get3A_34] : memref<1000x128xf32, #tpu.memory_space<vmem>>, vector<1000x128xf32>
    %get3A_36 = arith.constant 0 : index
    %get3A_37 = arith.constant 0 : index
    %get3A_38 = vector.load %arg5[%get3A_36, %get3A_37] : memref<1000x128xf32, #tpu.memory_space<vmem>>, vector<1000x128xf32>
    %add3A_39 = arith.addf %get3A_35, %get3A_38 : vector<1000x128xf32>
    %add3A_40 = arith.addf %add3A_39, %max3A_32 : vector<1000x128xf32>
    %get3A_41 = arith.constant 0 : index
    %get3A_42 = arith.constant 0 : index
    %get3A_43 = vector.load %arg10[%get3A_41, %get3A_42] : memref<1x128xf32, #tpu.memory_space<vmem>>, vector<1x128xf32>
    %mul3A = vector.broadcast %get3A_43 : vector<1x128xf32> to vector<1000x128xf32>
    %mul3A_44 = arith.mulf %add3A_40, %mul3A : vector<1000x128xf32>
    %reduce_sum3A = arith.constant dense<0.000000e+00> : vector<1000xf32>
    %reduce_sum3A_45 = vector.multi_reduction <add>, %mul3A_44, %reduce_sum3A [1] : vector<1000x128xf32> to vector<1000xf32>
    %broadcast_in_dim3A = vector.shape_cast %reduce_sum3A_45 : vector<1000xf32> to vector<1000x1xf32>
    %get3A_46 = arith.constant 0 : index
    %get3A_47 = arith.constant 0 : index
    %get3A_48 = vector.load %arg11[%get3A_46, %get3A_47] : memref<1x1xf32, #tpu.memory_space<vmem>>, vector<1x1xf32>
    %add3A_49 = vector.broadcast %get3A_48 : vector<1x1xf32> to vector<1000x1xf32>
    %add3A_50 = arith.addf %broadcast_in_dim3A, %add3A_49 : vector<1000x1xf32>
    %jit3A = arith.constant -1.000000e+01 : f32
    %jit3A_51 = arith.constant 1.000000e+01 : f32
    %max3A_52 = vector.broadcast %jit3A : f32 to vector<1000x1xf32>
    %max3A_53 = arith.maximumf %max3A_52, %add3A_50 : vector<1000x1xf32>
    %min3A = vector.broadcast %jit3A_51 : f32 to vector<1000x1xf32>
    %min3A_54 = arith.minimumf %min3A, %max3A_53 : vector<1000x1xf32>
    %neg3A = arith.constant 0.000000e+00 : f32
    %neg3A_55 = vector.broadcast %neg3A : f32 to vector<1000x1xf32>
    %neg3A_56 = arith.subf %neg3A_55, %min3A_54 : vector<1000x1xf32>
    %exp3A = math.exp %neg3A_56 : vector<1000x1xf32>
    %add3A_57 = arith.constant 1.000000e+00 : f32
    %add3A_58 = vector.broadcast %add3A_57 : f32 to vector<1000x1xf32>
    %add3A_59 = arith.addf %add3A_58, %exp3A : vector<1000x1xf32>
    %div3A = arith.constant 1.000000e+00 : f32
    %div3A_60 = vector.broadcast %div3A : f32 to vector<1000x1xf32>
    %div3A_61 = arith.divf %div3A_60, %add3A_59 : vector<1000x1xf32>
    %swap3A = arith.constant 0 : index
    %swap3A_62 = arith.constant 0 : index
    %swap3A_63 = vector.load %arg12[%swap3A, %swap3A_62] : memref<1000x1xf32, #tpu.memory_space<vmem>>, vector<1000x1xf32>
    tpu.vector_store %arg12[%swap3A, %swap3A_62], %div3A_61 {strides = array<i32>} : memref<1000x1xf32, #tpu.memory_space<vmem>>, vector<1000x1xf32>,
    return
  }
  func.func @transform_0(%arg0: i32) -> (i32, i32) {
    %c0_i32 = arith.constant 0 : i32
    %c0_i32_0 = arith.constant 0 : i32
    return %arg0, %c0_i32 : i32, i32
  }
  func.func @transform_1(%arg0: i32) -> (i32, i32) {
    %c0_i32 = arith.constant 0 : i32
    %c0_i32_0 = arith.constant 0 : i32
    return %arg0, %c0_i32 : i32, i32
  }
  func.func @transform_2(%arg0: i32) -> (i32, i32) {
    %c0_i32 = arith.constant 0 : i32
    %c0_i32_0 = arith.constant 0 : i32
    return %arg0, %c0_i32 : i32, i32
  }
  func.func @transform_3(%arg0: i32) -> (i32, i32) {
    %c0_i32 = arith.constant 0 : i32
    %c0_i32_0 = arith.constant 0 : i32
    return %arg0, %c0_i32 : i32, i32
  }
  func.func @transform_4(%arg0: i32) -> (i32, i32) {
    %c0_i32 = arith.constant 0 : i32
    %c0_i32_0 = arith.constant 0 : i32
    return %arg0, %c0_i32 : i32, i32
  }
  func.func @transform_5(%arg0: i32) -> (i32, i32) {
    %c0_i32 = arith.constant 0 : i32
    %c0_i32_0 = arith.constant 0 : i32
    %c0_i32_1 = arith.constant 0 : i32
    return %c0_i32, %c0_i32_0 : i32, i32
  }
  func.func @transform_6(%arg0: i32) -> (i32, i32) {
    %c0_i32 = arith.constant 0 : i32
    %c0_i32_0 = arith.constant 0 : i32
    %c0_i32_1 = arith.constant 0 : i32
    return %c0_i32, %c0_i32_0 : i32, i32
  }
  func.func @transform_7(%arg0: i32) -> (i32, i32) {
    %c0_i32 = arith.constant 0 : i32
    %c0_i32_0 = arith.constant 0 : i32
    %c0_i32_1 = arith.constant 0 : i32
    return %c0_i32, %c0_i32_0 : i32, i32
  }
  func.func @transform_8(%arg0: i32) -> (i32, i32) {
    %c0_i32 = arith.constant 0 : i32
    %c0_i32_0 = arith.constant 0 : i32
    %c0_i32_1 = arith.constant 0 : i32
    return %c0_i32, %c0_i32_0 : i32, i32
  }
  func.func @transform_9(%arg0: i32) -> (i32, i32) {
    %c0_i32 = arith.constant 0 : i32
    %c0_i32_0 = arith.constant 0 : i32
    %c0_i32_1 = arith.constant 0 : i32
    return %c0_i32, %c0_i32_0 : i32, i32
  }
  func.func @transform_10(%arg0: i32) -> (i32, i32) {
    %c0_i32 = arith.constant 0 : i32
    %c0_i32_0 = arith.constant 0 : i32
    %c0_i32_1 = arith.constant 0 : i32
    return %c0_i32, %c0_i32_0 : i32, i32
  }
  func.func @transform_11(%arg0: i32) -> (i32, i32) {
    %c0_i32 = arith.constant 0 : i32
    %c0_i32_0 = arith.constant 0 : i32
    return %arg0, %c0_i32 : i32, i32
  }
}

</mosaic_0001>

<sc_bundles>
// kernel: kernel.11.cloned.1.call-start
scs
__scs_entry_jumppad:
0x0: {  	(pc) =	sbr.rel $0x88, $3  }
0x1: {  	(tag) =	ssettag $0x0;
	lr =	simm.s32 $0x1  }
0x2: {  	[smem:$0x3F91] =	sst lr;
	_ =	strace $0xD0000000  }
0x3: {  	_ = 	snop  }
0x4: {  	_ = 	snop  }
0x5: {  	_ = 	snop  }
0x6: {  	_ = 	snop  }
0x7: {  	_ = 	snop  }
__scs_overlays_trampoline_lowered:
0x8: {  	[smem:$0x3FA0] =	sst s0  }
0x9: {  	[smem:$0x3FA1] =	sst s1  }
0xa: {  	[smem:$0x3FA2] =	sst s2  }
0xb: {  	[smem:$0x3FA3] =	sst s3  }
0xc: {  	[smem:$0x3FA4] =	sst s4  }
0xd: {  	[smem:$0x3FA5] =	sst s5  }
0xe: {  	[smem:$0x3FA6] =	sst s6  }
0xf: {  	[smem:$0x3FA7] =	sst s7  }
0x10: {  	[smem:$0x3FA8] =	sst s8  }
0x11: {  	[smem:$0x3FA9] =	sst s9;
	s0 =	simm.s32 @!p0 $0x0  }
0x12: {  	s1 =	sld [smem:$0x3F8F];
	s0 =	simm.s32 @p0 $0x1  }
0x13: {  	[smem:$0x3FAA] =	sst s0;
	s0 =	simm.s32 @!p1 $0x0  }
0x14: {  	s2 =	sld [smem:$0x3F8E];
	s0 =	simm.s32 @p1 $0x1  }
0x15: {  	[smem:$0x3FAB] =	sst s0;
	s0 =	simm.s32 @!p2 $0x0  }
0x16: {  	s3 =	sld [smem:$0x3FDB];
	s0 =	simm.s32 @p2 $0x1  }
0x17: {  	s4 =	simm.s32 $0x1BF5;
	[smem:$0x3FAD] =	sst s0  }
0x18: {  	s0 =	sld [smem:$0x3F90];
	_ =	swait.ge [sflag:s4], $0x0  }
0x19: {  	s7 =	sld [smem:$0x3F91]  }
0x1a: {  	s8 =	sadd.s32 $0xFFFFE003, lr  }
0x1b: {  	s9 =	sadd.s32 $0xFFFFFEF7, lr;
	s5 =	simm.s32 $0xFFFFFFFF;
	p2 =	slt.u32 s8, $0xFFFFF086  }
0x1c: {  	p1 =	slt.u32 s9, $0xF7A;
	s5 =	simm.s32 @!p2 $0x0  }
0x1d: {  	s5 =	simm.s32 @p1 $0x1;
	p0 =	seq.s32 s7, s2  }
0x1e: {  	s7 =	smul.u32 @!p0 $0xF7A, s2;
	p2 =	seq.s32 @!p0 s5, $0x0  }
0x1f: {  	s9 =	smul.u32 $0xF7A, s1;
	s8 =	simm.s32 @!p0 $0x1BF5;
	p2 =	por !p2, p0  }
0x20: {  	[sflag:s8] =	ssyncset.s32 @!p0 $0xFFFFF086;
	s6 =	sadd.s32 @!p0 s3, s7;
	s7 =	simm.s32 @!p0 $0x108  }
0x21: {  	s3 =	sadd.s32 s3, s9;
	s6 =	sadd.s32 @!p0 $0x88, s6;
	s7 =	simm.s32 @p2 $0x1082  }
0x22: {  	[simem:s7], [sflag:s8] =	dma.local @!p0 [hbm:s6], $0xF7A  }
0x23: {  	s9 =	sor.u32 $0xD0000000, s2;
	s6 =	simm.s32 $0x108;
	_ =	swait.ge @!p0 [sflag:s8], $0x0  }
0x24: {  	s3 =	sadd.s32 $0x88, s3;
	s6 =	simm.s32 @!p1 $0x1082;
	[sflag:s4] =	ssyncset.s32 $0xFFFFF086  }
0x25: {  	[simem:s6], [sflag:s4] =	dma.local [hbm:s3], $0xF7A  }
0x26: {  	[smem:$0x3F91] =	sst s1;
	(tag) =	ssettag s2;
	_ =	strace s9  }
0x27: {  	s1 =	sld [smem:$0x3FA1]  }
0x28: {  	s2 =	sld [smem:$0x3FA2]  }
0x29: {  	s4 =	sld [smem:$0x3FA4]  }
0x2a: {  	p0 =	seq.s32 s5, $0x0;
	s5 =	sld [smem:$0x3FA5]  }
0x2b: {  	s6 =	sld [smem:$0x3FA6]  }
0x2c: {  	s7 =	sld [smem:$0x3FA7]  }
0x2d: {  	s3 =	simm.s32 $0x108;
	s8 =	sld [smem:$0x3FA8]  }
0x2e: {  	s3 =	simm.s32 @!p0 $0x1082;
	s9 =	sld [smem:$0x3FA9]  }
0x2f: {  	lr =	sadd.s32 s0, s3;
	s0 =	sld [smem:$0x3FA0]  }
0x30: {  	s3 =	sld [smem:$0x3FA3]  }
0x31: {  	[smem:$0x3FAC] =	sst s10  }
0x32: {  	s10 =	sld [smem:$0x3FAA];
	_ =	sdelay $0x3  }
0x33: {  	p0 =	seq.s32 s10, $0x1;
	s10 =	sld [smem:$0x3FAC];
	_ =	sdelay $0x3  }
0x34: {  	[smem:$0x3FAC] =	sst s10  }
0x35: {  	s10 =	sld [smem:$0x3FAB];
	_ =	sdelay $0x3  }
0x36: {  	p1 =	seq.s32 s10, $0x1;
	s10 =	sld [smem:$0x3FAC];
	_ =	sdelay $0x3  }
0x37: {  	[smem:$0x3FAC] =	sst s10  }
0x38: {  	s10 =	sld [smem:$0x3FAD]  }
0x39: {  	_ = 	snop;
	(pc) =	sbr.ind lr, $3  }
0x3a: {  	_ = 	snop  }
0x3b: {  	_ = 	snop  }
0x3c: {  	p2 =	seq.s32 s10, $0x1;
	s10 =	sld [smem:$0x3FAC]  }
0x3d: {  	_ =	shalt  }
0x3e: {  	_ =	shalt  }
0x3f: {  	_ =	shalt  }
0x40: {  	_ =	shalt  }
0x41: {  	_ =	shalt  }
0x42: {  	_ =	shalt  }
0x43: {  	_ =	shalt  }
0x44: {  	_ =	shalt  }
0x45: {  	_ =	shalt  }
0x46: {  	_ =	shalt  }
0x47: {  	_ =	shalt  }
0x48: {  	_ =	shalt  }
0x49: {  	_ =	shalt  }
0x4a: {  	_ =	shalt  }
0x4b: {  	_ =	shalt  }
0x4c: {  	_ =	shalt  }
0x4d: {  	_ =	shalt  }
0x4e: {  	_ =	shalt  }
0x4f: {  	_ =	shalt  }
0x50: {  	_ =	shalt  }
0x51: {  	_ =	shalt  }
0x52: {  	_ =	shalt  }
0x53: {  	_ =	shalt  }
0x54: {  	_ =	shalt  }
0x55: {  	_ =	shalt  }
0x56: {  	_ =	shalt  }
0x57: {  	_ =	shalt  }
0x58: {  	_ =	shalt  }
0x59: {  	_ =	shalt  }
0x5a: {  	_ =	shalt  }
0x5b: {  	_ =	shalt  }
0x5c: {  	_ =	shalt  }
0x5d: {  	_ =	shalt  }
0x5e: {  	_ =	shalt  }
0x5f: {  	_ =	shalt  }
0x60: {  	_ =	shalt  }
0x61: {  	_ =	shalt  }
0x62: {  	_ =	shalt  }
0x63: {  	_ =	shalt  }
0x64: {  	_ =	shalt  }
0x65: {  	_ =	shalt  }
0x66: {  	_ =	shalt  }
0x67: {  	_ =	shalt  }
0x68: {  	_ =	shalt  }
0x69: {  	_ =	shalt  }
0x6a: {  	_ =	shalt  }
0x6b: {  	_ =	shalt  }
0x6c: {  	_ =	shalt  }
0x6d: {  	_ =	shalt  }
0x6e: {  	_ =	shalt  }
0x6f: {  	_ =	shalt  }
0x70: {  	_ =	shalt  }
0x71: {  	_ =	shalt  }
0x72: {  	_ =	shalt  }
0x73: {  	_ =	shalt  }
0x74: {  	_ =	shalt  }
0x75: {  	_ =	shalt  }
0x76: {  	_ =	shalt  }
0x77: {  	_ =	shalt  }
0x78: {  	_ =	shalt  }
0x79: {  	_ =	shalt  }
0x7a: {  	_ =	shalt  }
0x7b: {  	_ =	shalt  }
0x7c: {  	_ =	shalt  }
0x7d: {  	_ =	shalt  }
0x7e: {  	_ =	shalt  }
0x7f: {  	_ =	shalt  }
0x80: {  	_ =	shalt  }
0x81: {  	_ =	shalt  }
0x82: {  	_ =	shalt  }
0x83: {  	_ =	shalt  }
0x84: {  	_ =	shalt  }
0x85: {  	_ =	shalt  }
0x86: {  	_ =	shalt  }
0x87: {  	_ =	shalt  }
.Lfunc_end0:
.L_simem_size_0:
called_computation.1_lowered:
.L_overlay_start_0:
0x88: {  	s2 =	sld [smem:$0x3FD9]  }
0x89: {  	s3 =	sld [smem:$0x3FFE];
	_ =	sdelay $0x1  }
0x8a: {  	s1 =	srdreg.scid  }
0x8b: {  	s0 =	sand.u32 $0x1, s1  }
0x8c: {  	s16 =	sshll.u32 s0, $0xA;
	s2 =	sadd.s32 s3, s2  }
0x8d: {  	s2 =	sadd.s32 s2, s16  }
0x8e: {  	[smem:$0x3FB8] =	sst s2  }
0x8f: {  	_ = 	snop  }
0x90: {  	(tm) =	ssettm $0x1  }
0x91: {  	s17 =	sld [smem:$0x3FFB];
	_ =	sdelay $0x3  }
0x92: {  	_ =	strace s17  }
0x93: {  	s2 =	sld [smem:$0x3FFC];
	_ =	sdelay $0x3  }
0x94: {  	_ =	strace s2  }
0x95: {  	s2 =	sld [smem:$0x3FFD];
	_ =	sdelay $0x3  }
0x96: {  	_ =	strace s2  }
0x97: {  	_ =	strace $0x8FFFFFFF  }
0x98: {  	s18 =	sld [smem:$0x3FDB];
	_ =	sdelay $0x1  }
0x99: {  	s19 =	simm.s32 $_scs_section_size  }
0x9a: {  	s4 =	simm.s32 $_size__tile_overlayer_lowered;
	s5 =	simm.s32 $_tile_overlayer_lowered  }
0x9b: {  	s22 =	simm.s32 $0x1BFF;
	s21 =	sshll.u32 s5, $0x1;
	s2 =	sadd.s32 s19, s18  }
0x9c: {  	s6 =	simm.s32 $0x0;
	s20 =	sshll.u32 s4, $0x1;
	s4 =	sadd.s32 s21, s2  }
0x9d: {  	[timem:s6], [sflag:s22] =	dma.local [hbm:s4], s20  }
0x9e: {  	_ =	swait.ge [sflag:s22], s20  }
0x9f: {  	s3 =	ssub.s32 $0x0, s20;
	[sflag:s22] =	ssyncset.done $0x0  }
0xa0: {  	[sflag:s22] =	ssyncadd.s32 s3;
	_ =	sdelay $0x1  }
0xa1: {  	s23 =	simm.s32 $0x1B8B  }
0xa2: {  	_ =	swait.ge [sflag:s23], $0x1  }
0xa3: {  	[sflag:s23] =	ssyncset.done $0x0  }
0xa4: {  	s25 =	simm.s32 $0x1B8E;
	s24 =	sld [smem:$0x3FFE];
	[sflag:s23] =	ssyncadd.s32 $0xFFFFFFFF  }
0xa5: {  	s26 =	simm.s32 $execute0_lowered;
	[smem:$0x3FD2] =	sst s25  }
0xa6: {  	s4 =	sshll.u32 s26, $0x1;
	_ =	strace $0x80000049;
	[dreg:$0x1] =	wrdreg $0xFFFFFFFF  }
0xa7: {  	s28 =	simm.s32 $_size_execute0_lowered;
	s2 =	sadd.s32 s2, s4;
	[dreg:$0x0] =	wrdreg $0x0  }
0xa8: {  	s4 =	sshll.u32 s28, $0x1;
	[dreg:$0x2] =	wrdreg s2  }
0xa9: {  	[dreg:$0x3] =	wrdreg s4  }
0xaa: {  	[dreg:$0x4] =	wrdreg $0xC0  }
0xab: {  	_ =	task [dreg:s6], $0x5FFFF  }
0xac: {  	[dreg:$0x1] =	wrdreg $0xFFFFFFFF  }
0xad: {  	[dreg:$0x0] =	wrdreg $0x60  }
0xae: {  	[dreg:$0x2] =	wrdreg s24  }
0xaf: {  	[dreg:$0x3] =	wrdreg $0x90000  }
0xb0: {  	[dreg:$0x4] =	wrdreg $0x9  }
0xb1: {  	_ =	task.clear_ibuf [dreg:s6], $0x5FFFF;
	_ =	strace $0x90000049  }
0xb2: {  	s29 =	simm.s32 $0x9;
	_ =	strace $0x8000004B  }
0xb3: {  	_ =	swait.ge [sflag:s29], $0x1  }
0xb4: {  	[sflag:s29] =	ssyncadd.s32 $0xFFFFFFFF  }
0xb5: {  	_ =	strace $0x9000004B  }
0xb6: {  	_ =	sfence  }
0xb7: {  	s30 =	sld [smem:$0x0];
	_ =	sdelay $0x2  }
0xb8: {  	s31 =	sshll.u32 s1, $0xD;
	s1 =	sshrl.u32 s1, $0x2  }
0xb9: {  	s3 =	sand.u32 $0x4000, s31;
	s1 =	sadd.s32 s1, s30  }
0xba: {  	s0 =	sor.u32 s3, s0;
	s1 =	sshll.u32 s1, $0x11  }
0xbb: {  	s0 =	sor.u32 s1, s0  }
0xbc: {  	s0 =	sadd.s32 $0x8F2B, s0  }
0xbd: {  	[sflag:s0] =	ssyncadd.remote.s32 $0x1  }
0xbe: {  	_ =	sfence.sel $0xFFFF  }
0xbf: {  	[dreg:$0x0] =	wrdreg $0xFFFFFFFF;
	(pc) =	sbr.abs _section_cstart, $3  }
0xc0: {  	[dreg:$0x1] =	wrdreg $0xFFFFFFFF  }
0xc1: {  	_ =	task.clear_ibuf [dreg:s6], $0x2FFFF;
	_ =	strace $0x9FFFFFFF  }
0xc2: {  	(tm) =	ssettm $0x7FFFFFFF  }
0xc3: {  	_ =	shalt  }
tec
execute0_lowered:
.L_overlay_start_1:
0x0: {  	(tag) =	ssettag $0x1  }
0x1: {  	s6 =	rddreg [dreg:$0x0]  }
0x2: {  	s0 =	srdreg.scid;
	s2 =	rddreg [dreg:$0x1]  }
0x3: {  	s3 =	simm.s32 $0x0;
	s5 =	sand.u32 $0x1, s0;
	s0 =	stileid.u32  }
0x4: {  	s22 =	simm.s32 $0x80;
	s23 =	simm.s32 $0x5000;
	s14 =	smul.u32 $0x14000, s0  }
0x5: {  	[smem:$0x7FF] =	sst s3;
	s18 =	sadd.s32 $0x67200, s6;
	s10 =	smul.u32 $0x50000, s0  }
0x6: {  	s1 =	sshll.u32 s5, $0x4;
	s8 =	ssub.s32 $0x2, s5;
	s15 =	smul.u32 $0x140000, s5  }
0x7: {  	s28 =	sshll.u32 s0, $0x6;
	s4 =	sor.u32 s0, s1;
	s1 =	rddreg [dreg:$0x2]  }
0x8: {  	_ =	strace $0x8000004A;
	s25 =	sshrl.u32 s8, $0x1;
	s7 =	smul.u32 $0x500, s4  }
0x9: {  	s4 =	sadd.s32 $0x40000, s6;
	s24 =	sshrl.u32 s14, $0x3;
	s19 =	ssub.s32 s8, s25  }
0xa: {  	s26 =	sshrl.u32 s10, $0x2;
	s29 =	sadd.s32 s14, s15;
	s11 =	sadd.s32 $0x4000, s14  }
0xb: {  	s16 =	sadd.s32 $0x8000, s14;
	s17 =	sadd.s32 $0xC000, s14;
	s21 =	sadd.s32 $0x10000, s14  }
0xc: {  	s25 =	simm.s32 $0x0;
	s5 =	sadd.s32 s26, s2;
	s10 =	sshrl.u32 s29, $0x3  }
0xd: {  	s12 =	sadd.s32 s15, s11;
	s11 =	sadd.s32 s11, s2;
	s13 =	sadd.s32 s16, s2  }
0xe: {  	s16 =	sadd.s32 s15, s16;
	s20 =	sadd.s32 s15, s17;
	s31 =	sadd.s32 s15, s21  }
0xf: {  	s15 =	sadd.s32 s17, s2;
	s17 =	sadd.s32 s21, s2;
	s19 =	smax.u32 s19, $0x1  }
0x10: {  	s21 =	simm.s32 $0x2800;
	s9 =	sadd.s32 s7, s6;
	s7 =	sadd.s32 s24, s6  }
0x11: {  	s10 =	sadd.s32 s18, s10;
	s12 =	sshrl.u32 s12, $0x3;
	s16 =	sshrl.u32 s16, $0x3  }
0x12: {  	s30 =	sshrl.u32 s20, $0x3;
	s20 =	sshrl.u32 s31, $0x3;
	s24 =	simm.s32 $0x1  }
0x13: {  	s6 =	sadd.s32 $0x18000, s7;
	s7 =	sor.u32 $0x1C02, s28;
	s8 =	sadd.s32 $0x4000, s9  }
0x14: {  	s9 =	sadd.s32 $0xE000, s9;
	s12 =	sadd.s32 s18, s12;
	s14 =	sadd.s32 s18, s16  }
0x15: {  	s16 =	sadd.s32 s18, s30;
	s18 =	sadd.s32 s18, s20;
	s20 =	simm.s32 $0x2  }
.LBB2_1:
0x16: {  	s26 =	sshrl.u32 s5, $0x3  }
0x17: {  	[spmem:s26], [sflag:s7] =	dma.local [hbm:s6], $0x2800  }
0x18: {  	_ =	swait.ge [sflag:s20], $0x2800  }
0x19: {  	[sflag:s20] =	ssyncset.done $0x0  }
0x1a: {  	[sflag:s20] =	ssyncadd.s32 $0xFFFFD800  }
0x1b: {  	[tilespmem:s3], [sflag:$0x2] =	stream.linear.gather [hbm4b:s8+s3], $0x2780, $0x38;
	[tilespmem:$0x1D000] =	vst v63  }
0x1c: {  	_ =	swait.ge [sflag:s20], $0x2780  }
0x1d: {  	[sflag:s20] =	ssyncset.done $0x0  }
0x1e: {  	[sflag:s20] =	ssyncadd.s32 $0xFFFFD880  }
0x1f: {  	[tilespmem:s21], [sflag:$0x2] =	stream.linear.gather [hbm4b:s9+s3], $0x2780, $0x38;
	[tilespmem:$0x1D000] =	vst v63  }
0x20: {  	_ =	swait.ge [sflag:s20], $0x2780  }
0x21: {  	[sflag:s20] =	ssyncset.done $0x0  }
0x22: {  	[sflag:s20] =	ssyncadd.s32 $0xFFFFD880  }
0x23: {  	s30 =	simm.s32 $0x0;
	[bflag:$0x0] =	sbarrier.arrive $0xFFFF  }
0x24: {  	[tilespmem:s23], [sflag:$0x1] =	stream.indirect.gather [hbm4b:s4+s22], $0x80, s30, s22, $0xb8;
	[tilespmem:$0x1D000] =	vst v63  }
0x25: {  	_ =	swait.ge [sflag:s24], $0x4000  }
0x26: {  	[sflag:s24] =	ssyncset.done $0x0  }
0x27: {  	s31 =	simm.s32 $0x2800;
	[sflag:s24] =	ssyncadd.s32 $0xFFFFC000  }
0x28: {  	[spmem:s2] =	stream.indirect.scatter.add.f32 [tilespmem:s23], [sflag:$0x2], $0x80, s31, s22, $0xb8;
	[tilespmem:$0x1D000] =	vst v63  }
0x29: {  	_ =	swait.ge [sflag:s20], $0x4000  }
0x2a: {  	s28 =	simm.s32 $0x400;
	s26 =	simm.s32 $0x200;
	[sflag:s20] =	ssyncset.done $0x0  }
.LBB2_2:
0x2b: {  	s29 =	sshra.s32 s26, $0x2  }
0x2c: {  	[sflag:s20] =	ssyncadd.s32 $0xFFFFC000;
	s26 =	smov.u32 s28;
	s30 =	sadd.s32 $0x200, s28  }
0x2d: {  	[tilespmem:s23], [sflag:$0x1] =	stream.indirect.gather [hbm4b:s4+s22], $0x80, s29, s22, $0xb8;
	[tilespmem:$0x1D000] =	vst v63  }
0x2e: {  	p0 =	sne.s32 s28, $0x9C00;
	_ =	swait.ge [sflag:s24], $0x4000  }
.Ltmp0:
0x2f: {  	[sflag:s24] =	ssyncset.done $0x0;
	(pc) =	sbr.rel @p0 .LBB2_2-.Ltmp0, $4  }
0x30: {  	s28 =	sadd.s32 $0x2800, s29;
	[sflag:s24] =	ssyncadd.s32 $0xFFFFC000  }
0x31: {  	[spmem:s2] =	stream.indirect.scatter.add.f32 [tilespmem:s23], [sflag:$0x2], $0x80, s28, s22, $0xb8;
	[tilespmem:$0x1D000] =	vst v63  }
0x32: {  	_ =	swait.ge [sflag:s20], $0x4000  }
0x33: {  	s28 =	smov.u32 s30;
	[sflag:s20] =	ssyncset.done $0x0  }
0x34: {  	s26 =	sshra.s32 s26, $0x2;
	[sflag:s20] =	ssyncadd.s32 $0xFFFFC000  }
0x35: {  	[tilespmem:s23], [sflag:$0x1] =	stream.indirect.gather [hbm4b:s4+s22], $0x80, s26, s22, $0xb8;
	[tilespmem:$0x1D000] =	vst v63  }
0x36: {  	_ =	swait.ge [sflag:s24], $0x4000  }
0x37: {  	[sflag:s24] =	ssyncset.done $0x0  }
0x38: {  	s26 =	sadd.s32 $0x2800, s26;
	[sflag:s24] =	ssyncadd.s32 $0xFFFFC000  }
0x39: {  	[spmem:s2] =	stream.indirect.scatter.add.f32 [tilespmem:s23], [sflag:$0x2], $0x80, s26, s22, $0xb8;
	[tilespmem:$0x1D000] =	vst v63  }
0x3a: {  	_ =	swait.ge [sflag:s20], $0x4000  }
0x3b: {  	[sflag:s20] =	ssyncset.done $0x0  }
0x3c: {  	[sflag:s20] =	ssyncadd.s32 $0xFFFFC000  }
0x3d: {  	[bflag:$0x0] =	sbarrier.arrive $0xFFFF  }
0x3e: {  	[tilespmem:s23], [sflag:$0x2] =	stream.linear.gather [spmem:s5], $0x4000, $0x38;
	[tilespmem:$0x1D000] =	vst v63  }
0x3f: {  	_ =	swait.ge [sflag:s20], $0x4000  }
0x40: {  	[sflag:s20] =	ssyncset.done $0x0  }
0x41: {  	[sflag:s20] =	ssyncadd.s32 $0xFFFFC000  }
0x42: {  	[hbm4b:s10+s3] =	stream.linear.scatter [tilespmem:s23], [sflag:$0x2], $0x4000, $0x38;
	[tilespmem:$0x1D000] =	vst v63  }
0x43: {  	_ =	swait.ge [sflag:s20], $0x4000  }
0x44: {  	[sflag:s20] =	ssyncset.done $0x0  }
0x45: {  	[sflag:s20] =	ssyncadd.s32 $0xFFFFC000  }
0x46: {  	[tilespmem:s23], [sflag:$0x2] =	stream.linear.gather [spmem:s11], $0x4000, $0x38;
	[tilespmem:$0x1D000] =	vst v63  }
0x47: {  	_ =	swait.ge [sflag:s20], $0x4000  }
0x48: {  	[sflag:s20] =	ssyncset.done $0x0  }
0x49: {  	[sflag:s20] =	ssyncadd.s32 $0xFFFFC000  }
0x4a: {  	[hbm4b:s12+s3] =	stream.linear.scatter [tilespmem:s23], [sflag:$0x2], $0x4000, $0x38;
	[tilespmem:$0x1D000] =	vst v63  }
0x4b: {  	_ =	swait.ge [sflag:s20], $0x4000  }
0x4c: {  	[sflag:s20] =	ssyncset.done $0x0  }
0x4d: {  	[sflag:s20] =	ssyncadd.s32 $0xFFFFC000  }
0x4e: {  	[tilespmem:s23], [sflag:$0x2] =	stream.linear.gather [spmem:s13], $0x4000, $0x38;
	[tilespmem:$0x1D000] =	vst v63  }
0x4f: {  	_ =	swait.ge [sflag:s20], $0x4000  }
0x50: {  	[sflag:s20] =	ssyncset.done $0x0  }
0x51: {  	[sflag:s20] =	ssyncadd.s32 $0xFFFFC000  }
0x52: {  	[hbm4b:s14+s3] =	stream.linear.scatter [tilespmem:s23], [sflag:$0x2], $0x4000, $0x38;
	[tilespmem:$0x1D000] =	vst v63  }
0x53: {  	_ =	swait.ge [sflag:s20], $0x4000  }
0x54: {  	[sflag:s20] =	ssyncset.done $0x0  }
0x55: {  	[sflag:s20] =	ssyncadd.s32 $0xFFFFC000  }
0x56: {  	[tilespmem:s23], [sflag:$0x2] =	stream.linear.gather [spmem:s15], $0x4000, $0x38;
	[tilespmem:$0x1D000] =	vst v63  }
0x57: {  	_ =	swait.ge [sflag:s20], $0x4000  }
0x58: {  	[sflag:s20] =	ssyncset.done $0x0  }
0x59: {  	[sflag:s20] =	ssyncadd.s32 $0xFFFFC000  }
0x5a: {  	[hbm4b:s16+s3] =	stream.linear.scatter [tilespmem:s23], [sflag:$0x2], $0x4000, $0x38;
	[tilespmem:$0x1D000] =	vst v63  }
0x5b: {  	_ =	swait.ge [sflag:s20], $0x4000  }
0x5c: {  	[sflag:s20] =	ssyncset.done $0x0  }
0x5d: {  	[sflag:s20] =	ssyncadd.s32 $0xFFFFC000  }
0x5e: {  	[tilespmem:s23], [sflag:$0x2] =	stream.linear.gather [spmem:s17], $0x4000, $0x38;
	[tilespmem:$0x1D000] =	vst v63  }
0x5f: {  	s25 =	sadd.s32 $0x1, s25;
	_ =	swait.ge [sflag:s20], $0x4000  }
0x60: {  	p0 =	sne.s32 s25, s19;
	[sflag:s20] =	ssyncset.done $0x0  }
.Ltmp1:
0x61: {  	[sflag:s20] =	ssyncadd.s32 $0xFFFFC000;
	(pc) =	sbr.rel @p0 .LBB2_1-.Ltmp1, $4  }
0x62: {  	[hbm4b:s18+s3] =	stream.linear.scatter [tilespmem:s23], [sflag:$0x2], $0x4000, $0x38;
	[tilespmem:$0x1D000] =	vst v63  }
0x63: {  	_ =	swait.ge [sflag:s20], $0x4000  }
0x64: {  	[sflag:s20] =	ssyncset.done $0x0  }
0x65: {  	[sflag:s20] =	ssyncadd.s32 $0xFFFFC000  }
0x66: {  	_ =	sfence.sel $0x180000  }
0x67: {  	[bflag:$0x0] =	sbarrier.arrive $0xFFFF  }
0x68: {  	p0 =	sne.s32 s0, $0x0;
	_ =	strace $0x9000004A  }
0x69: {  	s0 =	sadd.s32 @!p0 $0x100000, s1;
	[bflag:$0x2] =	sbarrier.arrive $0xFFFF  }
0x6a: {  	[sflag:s0] =	ssyncadd.tile.s32 @!p0 $0x1;
	_ =	shalt  }
.Lfunc_end2:
_tile_overlayer_lowered:
.L_overlay_start_2:
0x6b: {  	(tag) =	ssettag $0x2  }
0x6c: {  	s0 =	rddreg [dreg:$0x0];
	s2 =	stileid.u32  }
0x6d: {  	s1 =	rddreg [dreg:$0x1];
	p0 =	sne.s32 s2, $0x0  }
0x6e: {  	s3 =	rddreg [dreg:$0x2];
	[bflag:$0x3] =	sbarrier.arrive $0xFFFF;
	s2 =	simm.s32 @!p0 $0x1C02  }
0x6f: {  	[timem:s3], [sflag:s2] =	dma.local @!p0 [hbm:s0], s1  }
0x70: {  	s0 =	simm.s32 @!p0 $0x2  }
0x71: {  	_ =	swait.ge @!p0 [sflag:s0], s1  }
0x72: {  	s1 =	ssub.s32 @!p0 $0x0, s1;
	[sflag:s0] =	ssyncset.done @!p0 $0x0  }
0x73: {  	[sflag:s0] =	ssyncadd.s32 @!p0 s1  }
0x74: {  	[bflag:$0x3] =	sbarrier.arrive $0xFFFF  }
0x75: {  	_ =	shalt  }

// kernel: kernel.14.cloned.1.call-start
scs
__scs_entry_jumppad:
0x0: {  	(pc) =	sbr.rel $0x88, $3  }
0x1: {  	(tag) =	ssettag $0x0;
	lr =	simm.s32 $0x1  }
0x2: {  	[smem:$0x3F91] =	sst lr;
	_ =	strace $0xD0000000  }
0x3: {  	_ = 	snop  }
0x4: {  	_ = 	snop  }
0x5: {  	_ = 	snop  }
0x6: {  	_ = 	snop  }
0x7: {  	_ = 	snop  }
__scs_overlays_trampoline_lowered:
0x8: {  	[smem:$0x3FA0] =	sst s0  }
0x9: {  	[smem:$0x3FA1] =	sst s1  }
0xa: {  	[smem:$0x3FA2] =	sst s2  }
0xb: {  	[smem:$0x3FA3] =	sst s3  }
0xc: {  	[smem:$0x3FA4] =	sst s4  }
0xd: {  	[smem:$0x3FA5] =	sst s5  }
0xe: {  	[smem:$0x3FA6] =	sst s6  }
0xf: {  	[smem:$0x3FA7] =	sst s7  }
0x10: {  	[smem:$0x3FA8] =	sst s8  }
0x11: {  	[smem:$0x3FA9] =	sst s9;
	s0 =	simm.s32 @!p0 $0x0  }
0x12: {  	s1 =	sld [smem:$0x3F8F];
	s0 =	simm.s32 @p0 $0x1  }
0x13: {  	[smem:$0x3FAA] =	sst s0;
	s0 =	simm.s32 @!p1 $0x0  }
0x14: {  	s2 =	sld [smem:$0x3F8E];
	s0 =	simm.s32 @p1 $0x1  }
0x15: {  	[smem:$0x3FAB] =	sst s0;
	s0 =	simm.s32 @!p2 $0x0  }
0x16: {  	s3 =	sld [smem:$0x3FDB];
	s0 =	simm.s32 @p2 $0x1  }
0x17: {  	s4 =	simm.s32 $0x1BF5;
	[smem:$0x3FAD] =	sst s0  }
0x18: {  	s0 =	sld [smem:$0x3F90];
	_ =	swait.ge [sflag:s4], $0x0  }
0x19: {  	s7 =	sld [smem:$0x3F91]  }
0x1a: {  	s8 =	sadd.s32 $0xFFFFE003, lr  }
0x1b: {  	s9 =	sadd.s32 $0xFFFFFEF7, lr;
	s5 =	simm.s32 $0xFFFFFFFF;
	p2 =	slt.u32 s8, $0xFFFFF086  }
0x1c: {  	p1 =	slt.u32 s9, $0xF7A;
	s5 =	simm.s32 @!p2 $0x0  }
0x1d: {  	s5 =	simm.s32 @p1 $0x1;
	p0 =	seq.s32 s7, s2  }
0x1e: {  	s7 =	smul.u32 @!p0 $0xF7A, s2;
	p2 =	seq.s32 @!p0 s5, $0x0  }
0x1f: {  	s9 =	smul.u32 $0xF7A, s1;
	s8 =	simm.s32 @!p0 $0x1BF5;
	p2 =	por !p2, p0  }
0x20: {  	[sflag:s8] =	ssyncset.s32 @!p0 $0xFFFFF086;
	s6 =	sadd.s32 @!p0 s3, s7;
	s7 =	simm.s32 @!p0 $0x108  }
0x21: {  	s3 =	sadd.s32 s3, s9;
	s6 =	sadd.s32 @!p0 $0x88, s6;
	s7 =	simm.s32 @p2 $0x1082  }
0x22: {  	[simem:s7], [sflag:s8] =	dma.local @!p0 [hbm:s6], $0xF7A  }
0x23: {  	s9 =	sor.u32 $0xD0000000, s2;
	s6 =	simm.s32 $0x108;
	_ =	swait.ge @!p0 [sflag:s8], $0x0  }
0x24: {  	s3 =	sadd.s32 $0x88, s3;
	s6 =	simm.s32 @!p1 $0x1082;
	[sflag:s4] =	ssyncset.s32 $0xFFFFF086  }
0x25: {  	[simem:s6], [sflag:s4] =	dma.local [hbm:s3], $0xF7A  }
0x26: {  	[smem:$0x3F91] =	sst s1;
	(tag) =	ssettag s2;
	_ =	strace s9  }
0x27: {  	s1 =	sld [smem:$0x3FA1]  }
0x28: {  	s2 =	sld [smem:$0x3FA2]  }
0x29: {  	s4 =	sld [smem:$0x3FA4]  }
0x2a: {  	p0 =	seq.s32 s5, $0x0;
	s5 =	sld [smem:$0x3FA5]  }
0x2b: {  	s6 =	sld [smem:$0x3FA6]  }
0x2c: {  	s7 =	sld [smem:$0x3FA7]  }
0x2d: {  	s3 =	simm.s32 $0x108;
	s8 =	sld [smem:$0x3FA8]  }
0x2e: {  	s3 =	simm.s32 @!p0 $0x1082;
	s9 =	sld [smem:$0x3FA9]  }
0x2f: {  	lr =	sadd.s32 s0, s3;
	s0 =	sld [smem:$0x3FA0]  }
0x30: {  	s3 =	sld [smem:$0x3FA3]  }
0x31: {  	[smem:$0x3FAC] =	sst s10  }
0x32: {  	s10 =	sld [smem:$0x3FAA];
	_ =	sdelay $0x3  }
0x33: {  	p0 =	seq.s32 s10, $0x1;
	s10 =	sld [smem:$0x3FAC];
	_ =	sdelay $0x3  }
0x34: {  	[smem:$0x3FAC] =	sst s10  }
0x35: {  	s10 =	sld [smem:$0x3FAB];
	_ =	sdelay $0x3  }
0x36: {  	p1 =	seq.s32 s10, $0x1;
	s10 =	sld [smem:$0x3FAC];
	_ =	sdelay $0x3  }
0x37: {  	[smem:$0x3FAC] =	sst s10  }
0x38: {  	s10 =	sld [smem:$0x3FAD]  }
0x39: {  	_ = 	snop;
	(pc) =	sbr.ind lr, $3  }
0x3a: {  	_ = 	snop  }
0x3b: {  	_ = 	snop  }
0x3c: {  	p2 =	seq.s32 s10, $0x1;
	s10 =	sld [smem:$0x3FAC]  }
0x3d: {  	_ =	shalt  }
0x3e: {  	_ =	shalt  }
0x3f: {  	_ =	shalt  }
0x40: {  	_ =	shalt  }
0x41: {  	_ =	shalt  }
0x42: {  	_ =	shalt  }
0x43: {  	_ =	shalt  }
0x44: {  	_ =	shalt  }
0x45: {  	_ =	shalt  }
0x46: {  	_ =	shalt  }
0x47: {  	_ =	shalt  }
0x48: {  	_ =	shalt  }
0x49: {  	_ =	shalt  }
0x4a: {  	_ =	shalt  }
0x4b: {  	_ =	shalt  }
0x4c: {  	_ =	shalt  }
0x4d: {  	_ =	shalt  }
0x4e: {  	_ =	shalt  }
0x4f: {  	_ =	shalt  }
0x50: {  	_ =	shalt  }
0x51: {  	_ =	shalt  }
0x52: {  	_ =	shalt  }
0x53: {  	_ =	shalt  }
0x54: {  	_ =	shalt  }
0x55: {  	_ =	shalt  }
0x56: {  	_ =	shalt  }
0x57: {  	_ =	shalt  }
0x58: {  	_ =	shalt  }
0x59: {  	_ =	shalt  }
0x5a: {  	_ =	shalt  }
0x5b: {  	_ =	shalt  }
0x5c: {  	_ =	shalt  }
0x5d: {  	_ =	shalt  }
0x5e: {  	_ =	shalt  }
0x5f: {  	_ =	shalt  }
0x60: {  	_ =	shalt  }
0x61: {  	_ =	shalt  }
0x62: {  	_ =	shalt  }
0x63: {  	_ =	shalt  }
0x64: {  	_ =	shalt  }
0x65: {  	_ =	shalt  }
0x66: {  	_ =	shalt  }
0x67: {  	_ =	shalt  }
0x68: {  	_ =	shalt  }
0x69: {  	_ =	shalt  }
0x6a: {  	_ =	shalt  }
0x6b: {  	_ =	shalt  }
0x6c: {  	_ =	shalt  }
0x6d: {  	_ =	shalt  }
0x6e: {  	_ =	shalt  }
0x6f: {  	_ =	shalt  }
0x70: {  	_ =	shalt  }
0x71: {  	_ =	shalt  }
0x72: {  	_ =	shalt  }
0x73: {  	_ =	shalt  }
0x74: {  	_ =	shalt  }
0x75: {  	_ =	shalt  }
0x76: {  	_ =	shalt  }
0x77: {  	_ =	shalt  }
0x78: {  	_ =	shalt  }
0x79: {  	_ =	shalt  }
0x7a: {  	_ =	shalt  }
0x7b: {  	_ =	shalt  }
0x7c: {  	_ =	shalt  }
0x7d: {  	_ =	shalt  }
0x7e: {  	_ =	shalt  }
0x7f: {  	_ =	shalt  }
0x80: {  	_ =	shalt  }
0x81: {  	_ =	shalt  }
0x82: {  	_ =	shalt  }
0x83: {  	_ =	shalt  }
0x84: {  	_ =	shalt  }
0x85: {  	_ =	shalt  }
0x86: {  	_ =	shalt  }
0x87: {  	_ =	shalt  }
.Lfunc_end0:
.L_simem_size_0:
called_computation.2_lowered:
.L_overlay_start_0:
0x88: {  	s2 =	sld [smem:$0x3FD9]  }
0x89: {  	s3 =	sld [smem:$0x3FFE];
	_ =	sdelay $0x1  }
0x8a: {  	s1 =	srdreg.scid  }
0x8b: {  	s0 =	sand.u32 $0x1, s1  }
0x8c: {  	s16 =	sshll.u32 s0, $0xA;
	s2 =	sadd.s32 s3, s2  }
0x8d: {  	s2 =	sadd.s32 s2, s16  }
0x8e: {  	[smem:$0x3FB8] =	sst s2  }
0x8f: {  	_ = 	snop  }
0x90: {  	(tm) =	ssettm $0x1  }
0x91: {  	s17 =	sld [smem:$0x3FFB];
	_ =	sdelay $0x3  }
0x92: {  	_ =	strace s17  }
0x93: {  	s2 =	sld [smem:$0x3FFC];
	_ =	sdelay $0x3  }
0x94: {  	_ =	strace s2  }
0x95: {  	s2 =	sld [smem:$0x3FFD];
	_ =	sdelay $0x3  }
0x96: {  	_ =	strace s2  }
0x97: {  	_ =	strace $0x8FFFFFFF  }
0x98: {  	s18 =	sld [smem:$0x3FDB];
	_ =	sdelay $0x1  }
0x99: {  	s19 =	simm.s32 $_scs_section_size  }
0x9a: {  	s4 =	simm.s32 $_size__tile_overlayer_lowered;
	s5 =	simm.s32 $_tile_overlayer_lowered  }
0x9b: {  	s22 =	simm.s32 $0x1BFF;
	s21 =	sshll.u32 s5, $0x1;
	s2 =	sadd.s32 s19, s18  }
0x9c: {  	s6 =	simm.s32 $0x0;
	s20 =	sshll.u32 s4, $0x1;
	s4 =	sadd.s32 s21, s2  }
0x9d: {  	[timem:s6], [sflag:s22] =	dma.local [hbm:s4], s20  }
0x9e: {  	_ =	swait.ge [sflag:s22], s20  }
0x9f: {  	s3 =	ssub.s32 $0x0, s20;
	[sflag:s22] =	ssyncset.done $0x0  }
0xa0: {  	[sflag:s22] =	ssyncadd.s32 s3;
	_ =	sdelay $0x1  }
0xa1: {  	s23 =	simm.s32 $0x1B8B  }
0xa2: {  	_ =	swait.ge [sflag:s23], $0x1  }
0xa3: {  	[sflag:s23] =	ssyncset.done $0x0  }
0xa4: {  	s25 =	simm.s32 $0x1B8E;
	s24 =	sld [smem:$0x3FFE];
	[sflag:s23] =	ssyncadd.s32 $0xFFFFFFFF  }
0xa5: {  	s26 =	simm.s32 $execute0_lowered;
	[smem:$0x3FD2] =	sst s25  }
0xa6: {  	s4 =	sshll.u32 s26, $0x1;
	_ =	strace $0x8000004C;
	[dreg:$0x1] =	wrdreg $0xFFFFFFFF  }
0xa7: {  	s28 =	simm.s32 $_size_execute0_lowered;
	s2 =	sadd.s32 s2, s4;
	[dreg:$0x0] =	wrdreg $0x0  }
0xa8: {  	s4 =	sshll.u32 s28, $0x1;
	[dreg:$0x2] =	wrdreg s2  }
0xa9: {  	[dreg:$0x3] =	wrdreg s4  }
0xaa: {  	[dreg:$0x4] =	wrdreg $0xC0  }
0xab: {  	_ =	task [dreg:s6], $0x5FFFF  }
0xac: {  	[dreg:$0x1] =	wrdreg $0xFFFFFFFF  }
0xad: {  	[dreg:$0x0] =	wrdreg $0x60  }
0xae: {  	[dreg:$0x2] =	wrdreg s24  }
0xaf: {  	[dreg:$0x3] =	wrdreg $0x90000  }
0xb0: {  	[dreg:$0x4] =	wrdreg $0x9  }
0xb1: {  	_ =	task.clear_ibuf [dreg:s6], $0x5FFFF;
	_ =	strace $0x9000004C  }
0xb2: {  	s29 =	simm.s32 $0x9;
	_ =	strace $0x8000004E  }
0xb3: {  	_ =	swait.ge [sflag:s29], $0x1  }
0xb4: {  	[sflag:s29] =	ssyncadd.s32 $0xFFFFFFFF  }
0xb5: {  	_ =	strace $0x9000004E  }
0xb6: {  	_ =	sfence  }
0xb7: {  	s30 =	sld [smem:$0x0];
	_ =	sdelay $0x2  }
0xb8: {  	s31 =	sshll.u32 s1, $0xD;
	s1 =	sshrl.u32 s1, $0x2  }
0xb9: {  	s3 =	sand.u32 $0x4000, s31;
	s1 =	sadd.s32 s1, s30  }
0xba: {  	s0 =	sor.u32 s3, s0;
	s1 =	sshll.u32 s1, $0x11  }
0xbb: {  	s0 =	sor.u32 s1, s0  }
0xbc: {  	s0 =	sadd.s32 $0x8F2B, s0  }
0xbd: {  	[sflag:s0] =	ssyncadd.remote.s32 $0x1  }
0xbe: {  	_ =	sfence.sel $0xFFFF  }
0xbf: {  	[dreg:$0x0] =	wrdreg $0xFFFFFFFF;
	(pc) =	sbr.abs _section_cstart, $3  }
0xc0: {  	[dreg:$0x1] =	wrdreg $0xFFFFFFFF  }
0xc1: {  	_ =	task.clear_ibuf [dreg:s6], $0x2FFFF;
	_ =	strace $0x9FFFFFFF  }
0xc2: {  	(tm) =	ssettm $0x7FFFFFFF  }
0xc3: {  	_ =	shalt  }
tec
execute0_lowered:
.L_overlay_start_1:
0x0: {  	(tag) =	ssettag $0x1  }
0x1: {  	s6 =	rddreg [dreg:$0x0]  }
0x2: {  	s0 =	srdreg.scid;
	s2 =	rddreg [dreg:$0x1]  }
0x3: {  	s3 =	simm.s32 $0x0;
	s5 =	sand.u32 $0x1, s0;
	s0 =	stileid.u32  }
0x4: {  	s22 =	simm.s32 $0x80;
	s23 =	simm.s32 $0x5000;
	s14 =	smul.u32 $0x14000, s0  }
0x5: {  	[smem:$0x7FF] =	sst s3;
	s18 =	sadd.s32 $0x8E400, s6;
	s10 =	smul.u32 $0x50000, s0  }
0x6: {  	s1 =	sshll.u32 s5, $0x4;
	s8 =	ssub.s32 $0x2, s5;
	s15 =	smul.u32 $0x140000, s5  }
0x7: {  	s28 =	sshll.u32 s0, $0x6;
	s4 =	sor.u32 s0, s1;
	s1 =	rddreg [dreg:$0x2]  }
0x8: {  	_ =	strace $0x8000004D;
	s25 =	sshrl.u32 s8, $0x1;
	s7 =	smul.u32 $0x500, s4  }
0x9: {  	s4 =	sadd.s32 $0x67200, s6;
	s24 =	sshrl.u32 s14, $0x3;
	s19 =	ssub.s32 s8, s25  }
0xa: {  	s26 =	sshrl.u32 s10, $0x2;
	s29 =	sadd.s32 s14, s15;
	s11 =	sadd.s32 $0x4000, s14  }
0xb: {  	s16 =	sadd.s32 $0x8000, s14;
	s17 =	sadd.s32 $0xC000, s14;
	s21 =	sadd.s32 $0x10000, s14  }
0xc: {  	s25 =	simm.s32 $0x0;
	s5 =	sadd.s32 s26, s2;
	s10 =	sshrl.u32 s29, $0x3  }
0xd: {  	s12 =	sadd.s32 s15, s11;
	s11 =	sadd.s32 s11, s2;
	s13 =	sadd.s32 s16, s2  }
0xe: {  	s16 =	sadd.s32 s15, s16;
	s20 =	sadd.s32 s15, s17;
	s31 =	sadd.s32 s15, s21  }
0xf: {  	s15 =	sadd.s32 s17, s2;
	s17 =	sadd.s32 s21, s2;
	s19 =	smax.u32 s19, $0x1  }
0x10: {  	s21 =	simm.s32 $0x2800;
	s9 =	sadd.s32 s7, s6;
	s7 =	sadd.s32 s24, s6  }
0x11: {  	s10 =	sadd.s32 s18, s10;
	s12 =	sshrl.u32 s12, $0x3;
	s16 =	sshrl.u32 s16, $0x3  }
0x12: {  	s30 =	sshrl.u32 s20, $0x3;
	s20 =	sshrl.u32 s31, $0x3;
	s24 =	simm.s32 $0x1  }
0x13: {  	s6 =	sadd.s32 $0x18000, s7;
	s7 =	sor.u32 $0x1C02, s28;
	s8 =	sadd.s32 $0x4000, s9  }
0x14: {  	s9 =	sadd.s32 $0xE000, s9;
	s12 =	sadd.s32 s18, s12;
	s14 =	sadd.s32 s18, s16  }
0x15: {  	s16 =	sadd.s32 s18, s30;
	s18 =	sadd.s32 s18, s20;
	s20 =	simm.s32 $0x2  }
.LBB2_1:
0x16: {  	s26 =	sshrl.u32 s5, $0x3  }
0x17: {  	[spmem:s26], [sflag:s7] =	dma.local [hbm:s6], $0x2800  }
0x18: {  	_ =	swait.ge [sflag:s20], $0x2800  }
0x19: {  	[sflag:s20] =	ssyncset.done $0x0  }
0x1a: {  	[sflag:s20] =	ssyncadd.s32 $0xFFFFD800  }
0x1b: {  	[tilespmem:s3], [sflag:$0x2] =	stream.linear.gather [hbm4b:s8+s3], $0x2780, $0x38;
	[tilespmem:$0x1D000] =	vst v63  }
0x1c: {  	_ =	swait.ge [sflag:s20], $0x2780  }
0x1d: {  	[sflag:s20] =	ssyncset.done $0x0  }
0x1e: {  	[sflag:s20] =	ssyncadd.s32 $0xFFFFD880  }
0x1f: {  	[tilespmem:s21], [sflag:$0x2] =	stream.linear.gather [hbm4b:s9+s3], $0x2780, $0x38;
	[tilespmem:$0x1D000] =	vst v63  }
0x20: {  	_ =	swait.ge [sflag:s20], $0x2780  }
0x21: {  	[sflag:s20] =	ssyncset.done $0x0  }
0x22: {  	[sflag:s20] =	ssyncadd.s32 $0xFFFFD880  }
0x23: {  	s30 =	simm.s32 $0x0;
	[bflag:$0x0] =	sbarrier.arrive $0xFFFF  }
0x24: {  	[tilespmem:s23], [sflag:$0x1] =	stream.indirect.gather [hbm4b:s4+s22], $0x80, s30, s22, $0xb8;
	[tilespmem:$0x1D000] =	vst v63  }
0x25: {  	_ =	swait.ge [sflag:s24], $0x4000  }
0x26: {  	[sflag:s24] =	ssyncset.done $0x0  }
0x27: {  	s31 =	simm.s32 $0x2800;
	[sflag:s24] =	ssyncadd.s32 $0xFFFFC000  }
0x28: {  	[spmem:s2] =	stream.indirect.scatter.add.f32 [tilespmem:s23], [sflag:$0x2], $0x80, s31, s22, $0xb8;
	[tilespmem:$0x1D000] =	vst v63  }
0x29: {  	_ =	swait.ge [sflag:s20], $0x4000  }
0x2a: {  	s28 =	simm.s32 $0x400;
	s26 =	simm.s32 $0x200;
	[sflag:s20] =	ssyncset.done $0x0  }
.LBB2_2:
0x2b: {  	s29 =	sshra.s32 s26, $0x2  }
0x2c: {  	[sflag:s20] =	ssyncadd.s32 $0xFFFFC000;
	s26 =	smov.u32 s28;
	s30 =	sadd.s32 $0x200, s28  }
0x2d: {  	[tilespmem:s23], [sflag:$0x1] =	stream.indirect.gather [hbm4b:s4+s22], $0x80, s29, s22, $0xb8;
	[tilespmem:$0x1D000] =	vst v63  }
0x2e: {  	p0 =	sne.s32 s28, $0x9C00;
	_ =	swait.ge [sflag:s24], $0x4000  }
.Ltmp0:
0x2f: {  	[sflag:s24] =	ssyncset.done $0x0;
	(pc) =	sbr.rel @p0 .LBB2_2-.Ltmp0, $4  }
0x30: {  	s28 =	sadd.s32 $0x2800, s29;
	[sflag:s24] =	ssyncadd.s32 $0xFFFFC000  }
0x31: {  	[spmem:s2] =	stream.indirect.scatter.add.f32 [tilespmem:s23], [sflag:$0x2], $0x80, s28, s22, $0xb8;
	[tilespmem:$0x1D000] =	vst v63  }
0x32: {  	_ =	swait.ge [sflag:s20], $0x4000  }
0x33: {  	s28 =	smov.u32 s30;
	[sflag:s20] =	ssyncset.done $0x0  }
0x34: {  	s26 =	sshra.s32 s26, $0x2;
	[sflag:s20] =	ssyncadd.s32 $0xFFFFC000  }
0x35: {  	[tilespmem:s23], [sflag:$0x1] =	stream.indirect.gather [hbm4b:s4+s22], $0x80, s26, s22, $0xb8;
	[tilespmem:$0x1D000] =	vst v63  }
0x36: {  	_ =	swait.ge [sflag:s24], $0x4000  }
0x37: {  	[sflag:s24] =	ssyncset.done $0x0  }
0x38: {  	s26 =	sadd.s32 $0x2800, s26;
	[sflag:s24] =	ssyncadd.s32 $0xFFFFC000  }
0x39: {  	[spmem:s2] =	stream.indirect.scatter.add.f32 [tilespmem:s23], [sflag:$0x2], $0x80, s26, s22, $0xb8;
	[tilespmem:$0x1D000] =	vst v63  }
0x3a: {  	_ =	swait.ge [sflag:s20], $0x4000  }
0x3b: {  	[sflag:s20] =	ssyncset.done $0x0  }
0x3c: {  	[sflag:s20] =	ssyncadd.s32 $0xFFFFC000  }
0x3d: {  	[bflag:$0x0] =	sbarrier.arrive $0xFFFF  }
0x3e: {  	[tilespmem:s23], [sflag:$0x2] =	stream.linear.gather [spmem:s5], $0x4000, $0x38;
	[tilespmem:$0x1D000] =	vst v63  }
0x3f: {  	_ =	swait.ge [sflag:s20], $0x4000  }
0x40: {  	[sflag:s20] =	ssyncset.done $0x0  }
0x41: {  	[sflag:s20] =	ssyncadd.s32 $0xFFFFC000  }
0x42: {  	[hbm4b:s10+s3] =	stream.linear.scatter [tilespmem:s23], [sflag:$0x2], $0x4000, $0x38;
	[tilespmem:$0x1D000] =	vst v63  }
0x43: {  	_ =	swait.ge [sflag:s20], $0x4000  }
0x44: {  	[sflag:s20] =	ssyncset.done $0x0  }
0x45: {  	[sflag:s20] =	ssyncadd.s32 $0xFFFFC000  }
0x46: {  	[tilespmem:s23], [sflag:$0x2] =	stream.linear.gather [spmem:s11], $0x4000, $0x38;
	[tilespmem:$0x1D000] =	vst v63  }
0x47: {  	_ =	swait.ge [sflag:s20], $0x4000  }
0x48: {  	[sflag:s20] =	ssyncset.done $0x0  }
0x49: {  	[sflag:s20] =	ssyncadd.s32 $0xFFFFC000  }
0x4a: {  	[hbm4b:s12+s3] =	stream.linear.scatter [tilespmem:s23], [sflag:$0x2], $0x4000, $0x38;
	[tilespmem:$0x1D000] =	vst v63  }
0x4b: {  	_ =	swait.ge [sflag:s20], $0x4000  }
0x4c: {  	[sflag:s20] =	ssyncset.done $0x0  }
0x4d: {  	[sflag:s20] =	ssyncadd.s32 $0xFFFFC000  }
0x4e: {  	[tilespmem:s23], [sflag:$0x2] =	stream.linear.gather [spmem:s13], $0x4000, $0x38;
	[tilespmem:$0x1D000] =	vst v63  }
0x4f: {  	_ =	swait.ge [sflag:s20], $0x4000  }
0x50: {  	[sflag:s20] =	ssyncset.done $0x0  }
0x51: {  	[sflag:s20] =	ssyncadd.s32 $0xFFFFC000  }
0x52: {  	[hbm4b:s14+s3] =	stream.linear.scatter [tilespmem:s23], [sflag:$0x2], $0x4000, $0x38;
	[tilespmem:$0x1D000] =	vst v63  }
0x53: {  	_ =	swait.ge [sflag:s20], $0x4000  }
0x54: {  	[sflag:s20] =	ssyncset.done $0x0  }
0x55: {  	[sflag:s20] =	ssyncadd.s32 $0xFFFFC000  }
0x56: {  	[tilespmem:s23], [sflag:$0x2] =	stream.linear.gather [spmem:s15], $0x4000, $0x38;
	[tilespmem:$0x1D000] =	vst v63  }
0x57: {  	_ =	swait.ge [sflag:s20], $0x4000  }
0x58: {  	[sflag:s20] =	ssyncset.done $0x0  }
0x59: {  	[sflag:s20] =	ssyncadd.s32 $0xFFFFC000  }
0x5a: {  	[hbm4b:s16+s3] =	stream.linear.scatter [tilespmem:s23], [sflag:$0x2], $0x4000, $0x38;
	[tilespmem:$0x1D000] =	vst v63  }
0x5b: {  	_ =	swait.ge [sflag:s20], $0x4000  }
0x5c: {  	[sflag:s20] =	ssyncset.done $0x0  }
0x5d: {  	[sflag:s20] =	ssyncadd.s32 $0xFFFFC000  }
0x5e: {  	[tilespmem:s23], [sflag:$0x2] =	stream.linear.gather [spmem:s17], $0x4000, $0x38;
	[tilespmem:$0x1D000] =	vst v63  }
0x5f: {  	s25 =	sadd.s32 $0x1, s25;
	_ =	swait.ge [sflag:s20], $0x4000  }
0x60: {  	p0 =	sne.s32 s25, s19;
	[sflag:s20] =	ssyncset.done $0x0  }
.Ltmp1:
0x61: {  	[sflag:s20] =	ssyncadd.s32 $0xFFFFC000;
	(pc) =	sbr.rel @p0 .LBB2_1-.Ltmp1, $4  }
0x62: {  	[hbm4b:s18+s3] =	stream.linear.scatter [tilespmem:s23], [sflag:$0x2], $0x4000, $0x38;
	[tilespmem:$0x1D000] =	vst v63  }
0x63: {  	_ =	swait.ge [sflag:s20], $0x4000  }
0x64: {  	[sflag:s20] =	ssyncset.done $0x0  }
0x65: {  	[sflag:s20] =	ssyncadd.s32 $0xFFFFC000  }
0x66: {  	_ =	sfence.sel $0x180000  }
0x67: {  	[bflag:$0x0] =	sbarrier.arrive $0xFFFF  }
0x68: {  	p0 =	sne.s32 s0, $0x0;
	_ =	strace $0x9000004D  }
0x69: {  	s0 =	sadd.s32 @!p0 $0x100000, s1;
	[bflag:$0x2] =	sbarrier.arrive $0xFFFF  }
0x6a: {  	[sflag:s0] =	ssyncadd.tile.s32 @!p0 $0x1;
	_ =	shalt  }
.Lfunc_end2:
_tile_overlayer_lowered:
.L_overlay_start_2:
0x6b: {  	(tag) =	ssettag $0x2  }
0x6c: {  	s0 =	rddreg [dreg:$0x0];
	s2 =	stileid.u32  }
0x6d: {  	s1 =	rddreg [dreg:$0x1];
	p0 =	sne.s32 s2, $0x0  }
0x6e: {  	s3 =	rddreg [dreg:$0x2];
	[bflag:$0x3] =	sbarrier.arrive $0xFFFF;
	s2 =	simm.s32 @!p0 $0x1C02  }
0x6f: {  	[timem:s3], [sflag:s2] =	dma.local @!p0 [hbm:s0], s1  }
0x70: {  	s0 =	simm.s32 @!p0 $0x2  }
0x71: {  	_ =	swait.ge @!p0 [sflag:s0], s1  }
0x72: {  	s1 =	ssub.s32 @!p0 $0x0, s1;
	[sflag:s0] =	ssyncset.done @!p0 $0x0  }
0x73: {  	[sflag:s0] =	ssyncadd.s32 @!p0 s1  }
0x74: {  	[bflag:$0x3] =	sbarrier.arrive $0xFFFF  }
0x75: {  	_ =	shalt  }

// kernel: kernel.8.cloned.1.call-start
scs
__scs_entry_jumppad:
0x0: {  	(pc) =	sbr.rel $0x88, $3  }
0x1: {  	(tag) =	ssettag $0x0;
	lr =	simm.s32 $0x1  }
0x2: {  	[smem:$0x3F91] =	sst lr;
	_ =	strace $0xD0000000  }
0x3: {  	_ = 	snop  }
0x4: {  	_ = 	snop  }
0x5: {  	_ = 	snop  }
0x6: {  	_ = 	snop  }
0x7: {  	_ = 	snop  }
__scs_overlays_trampoline_lowered:
0x8: {  	[smem:$0x3FA0] =	sst s0  }
0x9: {  	[smem:$0x3FA1] =	sst s1  }
0xa: {  	[smem:$0x3FA2] =	sst s2  }
0xb: {  	[smem:$0x3FA3] =	sst s3  }
0xc: {  	[smem:$0x3FA4] =	sst s4  }
0xd: {  	[smem:$0x3FA5] =	sst s5  }
0xe: {  	[smem:$0x3FA6] =	sst s6  }
0xf: {  	[smem:$0x3FA7] =	sst s7  }
0x10: {  	[smem:$0x3FA8] =	sst s8  }
0x11: {  	[smem:$0x3FA9] =	sst s9;
	s0 =	simm.s32 @!p0 $0x0  }
0x12: {  	s1 =	sld [smem:$0x3F8F];
	s0 =	simm.s32 @p0 $0x1  }
0x13: {  	[smem:$0x3FAA] =	sst s0;
	s0 =	simm.s32 @!p1 $0x0  }
0x14: {  	s2 =	sld [smem:$0x3F8E];
	s0 =	simm.s32 @p1 $0x1  }
0x15: {  	[smem:$0x3FAB] =	sst s0;
	s0 =	simm.s32 @!p2 $0x0  }
0x16: {  	s3 =	sld [smem:$0x3FDB];
	s0 =	simm.s32 @p2 $0x1  }
0x17: {  	s4 =	simm.s32 $0x1BF5;
	[smem:$0x3FAD] =	sst s0  }
0x18: {  	s0 =	sld [smem:$0x3F90];
	_ =	swait.ge [sflag:s4], $0x0  }
0x19: {  	s7 =	sld [smem:$0x3F91]  }
0x1a: {  	s8 =	sadd.s32 $0xFFFFE003, lr  }
0x1b: {  	s9 =	sadd.s32 $0xFFFFFEF7, lr;
	s5 =	simm.s32 $0xFFFFFFFF;
	p2 =	slt.u32 s8, $0xFFFFF086  }
0x1c: {  	p1 =	slt.u32 s9, $0xF7A;
	s5 =	simm.s32 @!p2 $0x0  }
0x1d: {  	s5 =	simm.s32 @p1 $0x1;
	p0 =	seq.s32 s7, s2  }
0x1e: {  	s7 =	smul.u32 @!p0 $0xF7A, s2;
	p2 =	seq.s32 @!p0 s5, $0x0  }
0x1f: {  	s9 =	smul.u32 $0xF7A, s1;
	s8 =	simm.s32 @!p0 $0x1BF5;
	p2 =	por !p2, p0  }
0x20: {  	[sflag:s8] =	ssyncset.s32 @!p0 $0xFFFFF086;
	s6 =	sadd.s32 @!p0 s3, s7;
	s7 =	simm.s32 @!p0 $0x108  }
0x21: {  	s3 =	sadd.s32 s3, s9;
	s6 =	sadd.s32 @!p0 $0x88, s6;
	s7 =	simm.s32 @p2 $0x1082  }
0x22: {  	[simem:s7], [sflag:s8] =	dma.local @!p0 [hbm:s6], $0xF7A  }
0x23: {  	s9 =	sor.u32 $0xD0000000, s2;
	s6 =	simm.s32 $0x108;
	_ =	swait.ge @!p0 [sflag:s8], $0x0  }
0x24: {  	s3 =	sadd.s32 $0x88, s3;
	s6 =	simm.s32 @!p1 $0x1082;
	[sflag:s4] =	ssyncset.s32 $0xFFFFF086  }
0x25: {  	[simem:s6], [sflag:s4] =	dma.local [hbm:s3], $0xF7A  }
0x26: {  	[smem:$0x3F91] =	sst s1;
	(tag) =	ssettag s2;
	_ =	strace s9  }
0x27: {  	s1 =	sld [smem:$0x3FA1]  }
0x28: {  	s2 =	sld [smem:$0x3FA2]  }
0x29: {  	s4 =	sld [smem:$0x3FA4]  }
0x2a: {  	p0 =	seq.s32 s5, $0x0;
	s5 =	sld [smem:$0x3FA5]  }
0x2b: {  	s6 =	sld [smem:$0x3FA6]  }
0x2c: {  	s7 =	sld [smem:$0x3FA7]  }
0x2d: {  	s3 =	simm.s32 $0x108;
	s8 =	sld [smem:$0x3FA8]  }
0x2e: {  	s3 =	simm.s32 @!p0 $0x1082;
	s9 =	sld [smem:$0x3FA9]  }
0x2f: {  	lr =	sadd.s32 s0, s3;
	s0 =	sld [smem:$0x3FA0]  }
0x30: {  	s3 =	sld [smem:$0x3FA3]  }
0x31: {  	[smem:$0x3FAC] =	sst s10  }
0x32: {  	s10 =	sld [smem:$0x3FAA];
	_ =	sdelay $0x3  }
0x33: {  	p0 =	seq.s32 s10, $0x1;
	s10 =	sld [smem:$0x3FAC];
	_ =	sdelay $0x3  }
0x34: {  	[smem:$0x3FAC] =	sst s10  }
0x35: {  	s10 =	sld [smem:$0x3FAB];
	_ =	sdelay $0x3  }
0x36: {  	p1 =	seq.s32 s10, $0x1;
	s10 =	sld [smem:$0x3FAC];
	_ =	sdelay $0x3  }
0x37: {  	[smem:$0x3FAC] =	sst s10  }
0x38: {  	s10 =	sld [smem:$0x3FAD]  }
0x39: {  	_ = 	snop;
	(pc) =	sbr.ind lr, $3  }
0x3a: {  	_ = 	snop  }
0x3b: {  	_ = 	snop  }
0x3c: {  	p2 =	seq.s32 s10, $0x1;
	s10 =	sld [smem:$0x3FAC]  }
0x3d: {  	_ =	shalt  }
0x3e: {  	_ =	shalt  }
0x3f: {  	_ =	shalt  }
0x40: {  	_ =	shalt  }
0x41: {  	_ =	shalt  }
0x42: {  	_ =	shalt  }
0x43: {  	_ =	shalt  }
0x44: {  	_ =	shalt  }
0x45: {  	_ =	shalt  }
0x46: {  	_ =	shalt  }
0x47: {  	_ =	shalt  }
0x48: {  	_ =	shalt  }
0x49: {  	_ =	shalt  }
0x4a: {  	_ =	shalt  }
0x4b: {  	_ =	shalt  }
0x4c: {  	_ =	shalt  }
0x4d: {  	_ =	shalt  }
0x4e: {  	_ =	shalt  }
0x4f: {  	_ =	shalt  }
0x50: {  	_ =	shalt  }
0x51: {  	_ =	shalt  }
0x52: {  	_ =	shalt  }
0x53: {  	_ =	shalt  }
0x54: {  	_ =	shalt  }
0x55: {  	_ =	shalt  }
0x56: {  	_ =	shalt  }
0x57: {  	_ =	shalt  }
0x58: {  	_ =	shalt  }
0x59: {  	_ =	shalt  }
0x5a: {  	_ =	shalt  }
0x5b: {  	_ =	shalt  }
0x5c: {  	_ =	shalt  }
0x5d: {  	_ =	shalt  }
0x5e: {  	_ =	shalt  }
0x5f: {  	_ =	shalt  }
0x60: {  	_ =	shalt  }
0x61: {  	_ =	shalt  }
0x62: {  	_ =	shalt  }
0x63: {  	_ =	shalt  }
0x64: {  	_ =	shalt  }
0x65: {  	_ =	shalt  }
0x66: {  	_ =	shalt  }
0x67: {  	_ =	shalt  }
0x68: {  	_ =	shalt  }
0x69: {  	_ =	shalt  }
0x6a: {  	_ =	shalt  }
0x6b: {  	_ =	shalt  }
0x6c: {  	_ =	shalt  }
0x6d: {  	_ =	shalt  }
0x6e: {  	_ =	shalt  }
0x6f: {  	_ =	shalt  }
0x70: {  	_ =	shalt  }
0x71: {  	_ =	shalt  }
0x72: {  	_ =	shalt  }
0x73: {  	_ =	shalt  }
0x74: {  	_ =	shalt  }
0x75: {  	_ =	shalt  }
0x76: {  	_ =	shalt  }
0x77: {  	_ =	shalt  }
0x78: {  	_ =	shalt  }
0x79: {  	_ =	shalt  }
0x7a: {  	_ =	shalt  }
0x7b: {  	_ =	shalt  }
0x7c: {  	_ =	shalt  }
0x7d: {  	_ =	shalt  }
0x7e: {  	_ =	shalt  }
0x7f: {  	_ =	shalt  }
0x80: {  	_ =	shalt  }
0x81: {  	_ =	shalt  }
0x82: {  	_ =	shalt  }
0x83: {  	_ =	shalt  }
0x84: {  	_ =	shalt  }
0x85: {  	_ =	shalt  }
0x86: {  	_ =	shalt  }
0x87: {  	_ =	shalt  }
.Lfunc_end0:
.L_simem_size_0:
called_computation_lowered:
.L_overlay_start_0:
0x88: {  	s2 =	sld [smem:$0x3FD9]  }
0x89: {  	s3 =	sld [smem:$0x3FFE];
	_ =	sdelay $0x1  }
0x8a: {  	s1 =	srdreg.scid  }
0x8b: {  	s0 =	sand.u32 $0x1, s1  }
0x8c: {  	s17 =	sshll.u32 s0, $0xA;
	s2 =	sadd.s32 s3, s2  }
0x8d: {  	s2 =	sadd.s32 s2, s17  }
0x8e: {  	[smem:$0x3FB8] =	sst s2  }
0x8f: {  	_ = 	snop  }
0x90: {  	s2 =	sld [smem:$0x3FC9];
	(tm) =	ssettm $0x1  }
0x91: {  	s18 =	sld [smem:$0x3FFB];
	_ =	sdelay $0x3  }
0x92: {  	_ =	strace s18  }
0x93: {  	s3 =	sld [smem:$0x3FFC];
	_ =	sdelay $0x3  }
0x94: {  	_ =	strace s3  }
0x95: {  	s3 =	sld [smem:$0x3FFD];
	_ =	sdelay $0x3  }
0x96: {  	_ =	strace s3  }
0x97: {  	_ =	strace $0x8FFFFFFF  }
0x98: {  	s19 =	sld [smem:$0x3FDB];
	_ =	sdelay $0x1  }
0x99: {  	s4 =	simm.s32 $_scs_section_size  }
0x9a: {  	s5 =	simm.s32 $_size__tile_overlayer_lowered;
	s6 =	simm.s32 $_tile_overlayer_lowered  }
0x9b: {  	s22 =	simm.s32 $0x1BFF;
	s21 =	sshll.u32 s6, $0x1;
	s3 =	sadd.s32 s4, s19  }
0x9c: {  	s7 =	simm.s32 $0x0;
	s20 =	sshll.u32 s5, $0x1;
	s5 =	sadd.s32 s21, s3  }
0x9d: {  	[timem:s7], [sflag:s22] =	dma.local [hbm:s5], s20  }
0x9e: {  	_ =	swait.ge [sflag:s22], s20  }
0x9f: {  	s4 =	ssub.s32 $0x0, s20;
	[sflag:s22] =	ssyncset.done $0x0  }
0xa0: {  	[sflag:s22] =	ssyncadd.s32 s4;
	_ =	sdelay $0x1  }
0xa1: {  	s23 =	simm.s32 $0x1B8B  }
0xa2: {  	_ =	swait.ge [sflag:s23], $0x1  }
0xa3: {  	[sflag:s23] =	ssyncset.done $0x0  }
0xa4: {  	s25 =	simm.s32 $0x1B8E;
	s24 =	sld [smem:$0x3FFE];
	[sflag:s23] =	ssyncadd.s32 $0xFFFFFFFF  }
0xa5: {  	s26 =	simm.s32 $execute0_lowered;
	[smem:$0x3FD2] =	sst s25  }
0xa6: {  	s5 =	sshll.u32 s26, $0x1;
	_ =	strace $0x80000046;
	[dreg:$0x1] =	wrdreg $0xFFFFFFFF  }
0xa7: {  	s28 =	simm.s32 $_size_execute0_lowered;
	s3 =	sadd.s32 s3, s5;
	[dreg:$0x0] =	wrdreg $0x0  }
0xa8: {  	s5 =	sshll.u32 s28, $0x1;
	[dreg:$0x2] =	wrdreg s3  }
0xa9: {  	[dreg:$0x3] =	wrdreg s5  }
0xaa: {  	[dreg:$0x4] =	wrdreg $0xC0  }
0xab: {  	_ =	task [dreg:s7], $0x5FFFF  }
0xac: {  	[dreg:$0x1] =	wrdreg $0xFFFFFFFF  }
0xad: {  	[dreg:$0x0] =	wrdreg $0x60  }
0xae: {  	[dreg:$0x2] =	wrdreg s2  }
0xaf: {  	[dreg:$0x3] =	wrdreg s24  }
0xb0: {  	[dreg:$0x4] =	wrdreg $0x90000  }
0xb1: {  	[dreg:$0x5] =	wrdreg $0x9  }
0xb2: {  	_ =	task.clear_ibuf [dreg:s7], $0x6FFFF;
	_ =	strace $0x90000046  }
0xb3: {  	s29 =	simm.s32 $0x9;
	_ =	strace $0x80000048  }
0xb4: {  	_ =	swait.ge [sflag:s29], $0x1  }
0xb5: {  	[sflag:s29] =	ssyncadd.s32 $0xFFFFFFFF  }
0xb6: {  	_ =	strace $0x90000048  }
0xb7: {  	_ =	sfence  }
0xb8: {  	s30 =	sld [smem:$0x0];
	_ =	sdelay $0x2  }
0xb9: {  	s31 =	sshll.u32 s1, $0xD;
	s1 =	sshrl.u32 s1, $0x2  }
0xba: {  	s3 =	sand.u32 $0x4000, s31;
	s1 =	sadd.s32 s1, s30  }
0xbb: {  	s0 =	sor.u32 s3, s0;
	s1 =	sshll.u32 s1, $0x11  }
0xbc: {  	s0 =	sor.u32 s1, s0  }
0xbd: {  	s0 =	sadd.s32 $0x8F2B, s0  }
0xbe: {  	[sflag:s0] =	ssyncadd.remote.s32 $0x1  }
0xbf: {  	_ =	sfence.sel $0xFFFF  }
0xc0: {  	[dreg:$0x0] =	wrdreg $0xFFFFFFFF;
	(pc) =	sbr.abs _section_cstart, $3  }
0xc1: {  	[dreg:$0x1] =	wrdreg $0xFFFFFFFF  }
0xc2: {  	_ =	task.clear_ibuf [dreg:s7], $0x2FFFF;
	_ =	strace $0x9FFFFFFF  }
0xc3: {  	(tm) =	ssettm $0x7FFFFFFF  }
tec
execute0_lowered:
.L_overlay_start_1:
0x0: {  	(tag) =	ssettag $0x1  }
0x1: {  	s1 =	rddreg [dreg:$0x0]  }
0x2: {  	s0 =	srdreg.scid;
	s6 =	rddreg [dreg:$0x1]  }
0x3: {  	s3 =	rddreg [dreg:$0x2];
	s4 =	simm.s32 $0x0;
	s22 =	simm.s32 $0x80  }
0x4: {  	s23 =	simm.s32 $0x5000;
	s5 =	sand.u32 $0x1, s0;
	s0 =	stileid.u32  }
0x5: {  	[smem:$0x7FF] =	sst s4;
	s18 =	sadd.s32 $0x40000, s6;
	s14 =	smul.u32 $0x14000, s0  }
0x6: {  	s2 =	sshll.u32 s5, $0x4;
	s8 =	ssub.s32 $0x2, s5;
	s10 =	smul.u32 $0x50000, s0  }
0x7: {  	s15 =	smul.u32 $0x140000, s5;
	s28 =	sshll.u32 s0, $0x6;
	s7 =	sor.u32 s0, s2  }
0x8: {  	s2 =	rddreg [dreg:$0x3];
	_ =	strace $0x80000047;
	s25 =	sshrl.u32 s8, $0x1  }
0x9: {  	s7 =	smul.u32 $0x500, s7;
	s24 =	sshrl.u32 s14, $0x3;
	s19 =	ssub.s32 s8, s25  }
0xa: {  	s26 =	sshrl.u32 s10, $0x2;
	s29 =	sadd.s32 s14, s15;
	s11 =	sadd.s32 $0x4000, s14  }
0xb: {  	s16 =	sadd.s32 $0x8000, s14;
	s17 =	sadd.s32 $0xC000, s14;
	s21 =	sadd.s32 $0x10000, s14  }
0xc: {  	s25 =	simm.s32 $0x0;
	s5 =	sadd.s32 s26, s3;
	s10 =	sshrl.u32 s29, $0x3  }
0xd: {  	s12 =	sadd.s32 s15, s11;
	s11 =	sadd.s32 s11, s3;
	s13 =	sadd.s32 s16, s3  }
0xe: {  	s16 =	sadd.s32 s15, s16;
	s20 =	sadd.s32 s15, s17;
	s31 =	sadd.s32 s15, s21  }
0xf: {  	s15 =	sadd.s32 s17, s3;
	s17 =	sadd.s32 s21, s3;
	s19 =	smax.u32 s19, $0x1  }
0x10: {  	s21 =	simm.s32 $0x2800;
	s9 =	sadd.s32 s7, s6;
	s7 =	sadd.s32 s24, s6  }
0x11: {  	s10 =	sadd.s32 s18, s10;
	s12 =	sshrl.u32 s12, $0x3;
	s16 =	sshrl.u32 s16, $0x3  }
0x12: {  	s30 =	sshrl.u32 s20, $0x3;
	s20 =	sshrl.u32 s31, $0x3;
	s24 =	simm.s32 $0x1  }
0x13: {  	s6 =	sadd.s32 $0x18000, s7;
	s7 =	sor.u32 $0x1C02, s28;
	s8 =	sadd.s32 $0x4000, s9  }
0x14: {  	s9 =	sadd.s32 $0xE000, s9;
	s12 =	sadd.s32 s18, s12;
	s14 =	sadd.s32 s18, s16  }
0x15: {  	s16 =	sadd.s32 s18, s30;
	s18 =	sadd.s32 s18, s20;
	s20 =	simm.s32 $0x2  }
.LBB2_1:
0x16: {  	s26 =	sshrl.u32 s5, $0x3  }
0x17: {  	[spmem:s26], [sflag:s7] =	dma.local [hbm:s6], $0x2800  }
0x18: {  	_ =	swait.ge [sflag:s20], $0x2800  }
0x19: {  	[sflag:s20] =	ssyncset.done $0x0  }
0x1a: {  	[sflag:s20] =	ssyncadd.s32 $0xFFFFD800  }
0x1b: {  	[tilespmem:s4], [sflag:$0x2] =	stream.linear.gather [hbm4b:s8+s4], $0x2780, $0x38;
	[tilespmem:$0x1D000] =	vst v63  }
0x1c: {  	_ =	swait.ge [sflag:s20], $0x2780  }
0x1d: {  	[sflag:s20] =	ssyncset.done $0x0  }
0x1e: {  	[sflag:s20] =	ssyncadd.s32 $0xFFFFD880  }
0x1f: {  	[tilespmem:s21], [sflag:$0x2] =	stream.linear.gather [hbm4b:s9+s4], $0x2780, $0x38;
	[tilespmem:$0x1D000] =	vst v63  }
0x20: {  	_ =	swait.ge [sflag:s20], $0x2780  }
0x21: {  	[sflag:s20] =	ssyncset.done $0x0  }
0x22: {  	[sflag:s20] =	ssyncadd.s32 $0xFFFFD880  }
0x23: {  	s30 =	simm.s32 $0x0;
	[bflag:$0x0] =	sbarrier.arrive $0xFFFF  }
0x24: {  	[tilespmem:s23], [sflag:$0x1] =	stream.indirect.gather [hbm4b:s1+s22], $0x80, s30, s22, $0xb8;
	[tilespmem:$0x1D000] =	vst v63  }
0x25: {  	_ =	swait.ge [sflag:s24], $0x4000  }
0x26: {  	[sflag:s24] =	ssyncset.done $0x0  }
0x27: {  	s31 =	simm.s32 $0x2800;
	[sflag:s24] =	ssyncadd.s32 $0xFFFFC000  }
0x28: {  	[spmem:s3] =	stream.indirect.scatter.add.f32 [tilespmem:s23], [sflag:$0x2], $0x80, s31, s22, $0xb8;
	[tilespmem:$0x1D000] =	vst v63  }
0x29: {  	_ =	swait.ge [sflag:s20], $0x4000  }
0x2a: {  	s28 =	simm.s32 $0x400;
	s26 =	simm.s32 $0x200;
	[sflag:s20] =	ssyncset.done $0x0  }
.LBB2_2:
0x2b: {  	s29 =	sshra.s32 s26, $0x2  }
0x2c: {  	[sflag:s20] =	ssyncadd.s32 $0xFFFFC000;
	s26 =	smov.u32 s28;
	s30 =	sadd.s32 $0x200, s28  }
0x2d: {  	[tilespmem:s23], [sflag:$0x1] =	stream.indirect.gather [hbm4b:s1+s22], $0x80, s29, s22, $0xb8;
	[tilespmem:$0x1D000] =	vst v63  }
0x2e: {  	p0 =	sne.s32 s28, $0x9C00;
	_ =	swait.ge [sflag:s24], $0x4000  }
.Ltmp0:
0x2f: {  	[sflag:s24] =	ssyncset.done $0x0;
	(pc) =	sbr.rel @p0 .LBB2_2-.Ltmp0, $4  }
0x30: {  	s28 =	sadd.s32 $0x2800, s29;
	[sflag:s24] =	ssyncadd.s32 $0xFFFFC000  }
0x31: {  	[spmem:s3] =	stream.indirect.scatter.add.f32 [tilespmem:s23], [sflag:$0x2], $0x80, s28, s22, $0xb8;
	[tilespmem:$0x1D000] =	vst v63  }
0x32: {  	_ =	swait.ge [sflag:s20], $0x4000  }
0x33: {  	s28 =	smov.u32 s30;
	[sflag:s20] =	ssyncset.done $0x0  }
0x34: {  	s26 =	sshra.s32 s26, $0x2;
	[sflag:s20] =	ssyncadd.s32 $0xFFFFC000  }
0x35: {  	[tilespmem:s23], [sflag:$0x1] =	stream.indirect.gather [hbm4b:s1+s22], $0x80, s26, s22, $0xb8;
	[tilespmem:$0x1D000] =	vst v63  }
0x36: {  	_ =	swait.ge [sflag:s24], $0x4000  }
0x37: {  	[sflag:s24] =	ssyncset.done $0x0  }
0x38: {  	s26 =	sadd.s32 $0x2800, s26;
	[sflag:s24] =	ssyncadd.s32 $0xFFFFC000  }
0x39: {  	[spmem:s3] =	stream.indirect.scatter.add.f32 [tilespmem:s23], [sflag:$0x2], $0x80, s26, s22, $0xb8;
	[tilespmem:$0x1D000] =	vst v63  }
0x3a: {  	_ =	swait.ge [sflag:s20], $0x4000  }
0x3b: {  	[sflag:s20] =	ssyncset.done $0x0  }
0x3c: {  	[sflag:s20] =	ssyncadd.s32 $0xFFFFC000  }
0x3d: {  	[bflag:$0x0] =	sbarrier.arrive $0xFFFF  }
0x3e: {  	[tilespmem:s23], [sflag:$0x2] =	stream.linear.gather [spmem:s5], $0x4000, $0x38;
	[tilespmem:$0x1D000] =	vst v63  }
0x3f: {  	_ =	swait.ge [sflag:s20], $0x4000  }
0x40: {  	[sflag:s20] =	ssyncset.done $0x0  }
0x41: {  	[sflag:s20] =	ssyncadd.s32 $0xFFFFC000  }
0x42: {  	[hbm4b:s10+s4] =	stream.linear.scatter [tilespmem:s23], [sflag:$0x2], $0x4000, $0x38;
	[tilespmem:$0x1D000] =	vst v63  }
0x43: {  	_ =	swait.ge [sflag:s20], $0x4000  }
0x44: {  	[sflag:s20] =	ssyncset.done $0x0  }
0x45: {  	[sflag:s20] =	ssyncadd.s32 $0xFFFFC000  }
0x46: {  	[tilespmem:s23], [sflag:$0x2] =	stream.linear.gather [spmem:s11], $0x4000, $0x38;
	[tilespmem:$0x1D000] =	vst v63  }
0x47: {  	_ =	swait.ge [sflag:s20], $0x4000  }
0x48: {  	[sflag:s20] =	ssyncset.done $0x0  }
0x49: {  	[sflag:s20] =	ssyncadd.s32 $0xFFFFC000  }
0x4a: {  	[hbm4b:s12+s4] =	stream.linear.scatter [tilespmem:s23], [sflag:$0x2], $0x4000, $0x38;
	[tilespmem:$0x1D000] =	vst v63  }
0x4b: {  	_ =	swait.ge [sflag:s20], $0x4000  }
0x4c: {  	[sflag:s20] =	ssyncset.done $0x0  }
0x4d: {  	[sflag:s20] =	ssyncadd.s32 $0xFFFFC000  }
0x4e: {  	[tilespmem:s23], [sflag:$0x2] =	stream.linear.gather [spmem:s13], $0x4000, $0x38;
	[tilespmem:$0x1D000] =	vst v63  }
0x4f: {  	_ =	swait.ge [sflag:s20], $0x4000  }
0x50: {  	[sflag:s20] =	ssyncset.done $0x0  }
0x51: {  	[sflag:s20] =	ssyncadd.s32 $0xFFFFC000  }
0x52: {  	[hbm4b:s14+s4] =	stream.linear.scatter [tilespmem:s23], [sflag:$0x2], $0x4000, $0x38;
	[tilespmem:$0x1D000] =	vst v63  }
0x53: {  	_ =	swait.ge [sflag:s20], $0x4000  }
0x54: {  	[sflag:s20] =	ssyncset.done $0x0  }
0x55: {  	[sflag:s20] =	ssyncadd.s32 $0xFFFFC000  }
0x56: {  	[tilespmem:s23], [sflag:$0x2] =	stream.linear.gather [spmem:s15], $0x4000, $0x38;
	[tilespmem:$0x1D000] =	vst v63  }
0x57: {  	_ =	swait.ge [sflag:s20], $0x4000  }
0x58: {  	[sflag:s20] =	ssyncset.done $0x0  }
0x59: {  	[sflag:s20] =	ssyncadd.s32 $0xFFFFC000  }
0x5a: {  	[hbm4b:s16+s4] =	stream.linear.scatter [tilespmem:s23], [sflag:$0x2], $0x4000, $0x38;
	[tilespmem:$0x1D000] =	vst v63  }
0x5b: {  	_ =	swait.ge [sflag:s20], $0x4000  }
0x5c: {  	[sflag:s20] =	ssyncset.done $0x0  }
0x5d: {  	[sflag:s20] =	ssyncadd.s32 $0xFFFFC000  }
0x5e: {  	[tilespmem:s23], [sflag:$0x2] =	stream.linear.gather [spmem:s17], $0x4000, $0x38;
	[tilespmem:$0x1D000] =	vst v63  }
0x5f: {  	s25 =	sadd.s32 $0x1, s25;
	_ =	swait.ge [sflag:s20], $0x4000  }
0x60: {  	p0 =	sne.s32 s25, s19;
	[sflag:s20] =	ssyncset.done $0x0  }
.Ltmp1:
0x61: {  	[sflag:s20] =	ssyncadd.s32 $0xFFFFC000;
	(pc) =	sbr.rel @p0 .LBB2_1-.Ltmp1, $4  }
0x62: {  	[hbm4b:s18+s4] =	stream.linear.scatter [tilespmem:s23], [sflag:$0x2], $0x4000, $0x38;
	[tilespmem:$0x1D000] =	vst v63  }
0x63: {  	_ =	swait.ge [sflag:s20], $0x4000  }
0x64: {  	[sflag:s20] =	ssyncset.done $0x0  }
0x65: {  	[sflag:s20] =	ssyncadd.s32 $0xFFFFC000  }
0x66: {  	_ =	sfence.sel $0x180000  }
0x67: {  	[bflag:$0x0] =	sbarrier.arrive $0xFFFF  }
0x68: {  	p0 =	sne.s32 s0, $0x0;
	_ =	strace $0x90000047  }
0x69: {  	s0 =	sadd.s32 @!p0 $0x100000, s2;
	[bflag:$0x2] =	sbarrier.arrive $0xFFFF  }
0x6a: {  	[sflag:s0] =	ssyncadd.tile.s32 @!p0 $0x1;
	_ =	shalt  }
.Lfunc_end2:
_tile_overlayer_lowered:
.L_overlay_start_2:
0x6b: {  	(tag) =	ssettag $0x2  }
0x6c: {  	s0 =	rddreg [dreg:$0x0];
	s2 =	stileid.u32  }
0x6d: {  	s1 =	rddreg [dreg:$0x1];
	p0 =	sne.s32 s2, $0x0  }
0x6e: {  	s3 =	rddreg [dreg:$0x2];
	[bflag:$0x3] =	sbarrier.arrive $0xFFFF;
	s2 =	simm.s32 @!p0 $0x1C02  }
0x6f: {  	[timem:s3], [sflag:s2] =	dma.local @!p0 [hbm:s0], s1  }
0x70: {  	s0 =	simm.s32 @!p0 $0x2  }
0x71: {  	_ =	swait.ge @!p0 [sflag:s0], s1  }
0x72: {  	s1 =	ssub.s32 @!p0 $0x0, s1;
	[sflag:s0] =	ssyncset.done @!p0 $0x0  }
0x73: {  	[sflag:s0] =	ssyncadd.s32 @!p0 s1  }
0x74: {  	[bflag:$0x3] =	sbarrier.arrive $0xFFFF  }
0x75: {  	_ =	shalt  }

</sc_bundles>
